<compile_context>
chip_gen: v7x
topology: tpu7x:2x2x1
jax: 0.10.2.dev20260603
libtpu: 0.0.44.dev20260713+nightly
codegen_flags: <defaults>
</compile_context>

<pallas_src>
import functools

import jax
import jax.numpy as jnp
from jax import lax
from jax.experimental import pallas as pl
from jax.experimental.pallas import tpu as pltpu
from jax.experimental.pallas import tpu_sc as plsc

_G = 120
_TB = 80
_CH = 240
_NCHUNK = 13
_NBUF = 4
_LOOKAHEAD = 2
_SPAN = _CH * _NCHUNK


@functools.lru_cache(maxsize=None)
def _make(n, dim):
    info = plsc.get_sparse_core_info()
    nc, ns = info.num_cores, info.num_subcores
    nw = nc * ns
    n_main = nw * _SPAN
    n_extra = (n - n_main) // _TB

    @functools.partial(
        pl.kernel,
        out_type=jax.ShapeDtypeStruct((n, dim), jnp.float32),
        mesh=plsc.VectorSubcoreMesh(core_axis_name="c", subcore_axis_name="s"),
        scratch_types=(
            [pltpu.VMEM((_SPAN + _TB,), jnp.int32),
             pltpu.VMEM((9, dim), jnp.float32),
             pltpu.VMEM_SHARED((9, dim), jnp.float32)]
            + [pltpu.VMEM((_CH, dim), jnp.float32)] * _NBUF
            + [pltpu.SemaphoreType.DMA] * (2 * _NBUF)
        ),
    )
    def k(idx_hbm, table_hbm, out_hbm, idx_v, tbl_v, tbl_sh, *bufs):
        rows = bufs[:_NBUF]
        gsem = bufs[_NBUF:2 * _NBUF]
        wsem = bufs[2 * _NBUF:]
        wid = lax.axis_index("s") * nc + lax.axis_index("c")
        row0 = wid * _SPAN

        @pl.when(lax.axis_index("s") == 0)
        def _():
            pltpu.sync_copy(table_hbm, tbl_v)
            pltpu.sync_copy(tbl_v, tbl_sh)

        plsc.subcore_barrier()
        pltpu.sync_copy(idx_hbm.at[pl.ds(row0, _SPAN)], idx_v.at[pl.ds(0, _SPAN)])

        @pl.when(wid < n_extra)
        def _():
            pltpu.sync_copy(idx_hbm.at[pl.ds(n_main + wid * _TB, _TB)],
                            idx_v.at[pl.ds(_SPAN, _TB)])

        def fire(t):
            p = t % _NBUF
            return [
                pltpu.async_copy(
                    tbl_sh.at[idx_v.at[pl.ds(t * _CH + i * _G, _G)]],
                    rows[p].at[pl.ds(i * _G, _G)],
                    gsem[p],
                )
                for i in range(_CH // _G)
            ]

        gd, wd = {}, {}
        for t in range(_LOOKAHEAD):
            gd[t] = fire(t)
        for t in range(_NCHUNK):
            p = t % _NBUF
            nt = t + _LOOKAHEAD
            if nt < _NCHUNK:
                if nt - _NBUF >= 0:
                    wd.pop(nt - _NBUF).wait()
                gd[nt] = fire(nt)
            for g in gd.pop(t):
                g.wait()
            wd[t] = pltpu.async_copy(
                rows[p], out_hbm.at[pl.ds(row0 + t * _CH, _CH)], wsem[p])
        for t in sorted(wd):
            wd.pop(t).wait()

        @pl.when(wid < n_extra)
        def _():
            pltpu.async_copy(
                tbl_sh.at[idx_v.at[pl.ds(_SPAN, _TB)]],
                rows[0].at[pl.ds(0, _TB)], gsem[0]).wait()
            pltpu.sync_copy(rows[0].at[pl.ds(0, _TB)],
                            out_hbm.at[pl.ds(n_main + wid * _TB, _TB)])

    return k


def kernel(x, table):
    n = x.shape[0]
    idx = x.reshape(n).astype(jnp.int32)
    return _make(n, table.shape[1])(idx, table)

# --- scband reference (transcript-rebuilt; emitter-appended) ---
"""Pipeline reference for scband-embedding-node-encoder-28398323761645 (READ-ONLY COPY).

The authoritative reference and input builder live on the scoring server;
editing this copy changes nothing except your own understanding.
"""

import jax, jax.numpy as jnp
import numpy as np

DIM_EMB = 128
NUM_EMB = 9
N = 100000

def _xavier_uniform(key, shape):
    fan_in, fan_out = shape[0], shape[1]
    limit = float(np.sqrt(6.0 / (fan_in + fan_out)))
    return jax.random.uniform(key, shape, dtype=jnp.float32, minval=-limit, maxval=limit)

def setup_inputs(seed: int = 0) -> dict:
    key = jax.random.key(seed)
    k1, k2 = jax.random.split(key)
    x = jax.random.randint(k1, (N, 1), 0, NUM_EMB, dtype=jnp.int64)
    table = _xavier_uniform(k2, (NUM_EMB, DIM_EMB))
    return {"x": x, "table": table}

def reference(x, table):
    idx = jnp.squeeze(x, axis=-1).astype(jnp.int32)
    out = jnp.take(table, idx, axis=0)
    return out

if __name__ == "__main__":
    import jax
    _d = setup_inputs()
    print(jax.jit(kernel)(*tuple(_d.values())))

</pallas_src>

<mosaic_0001>
#map = affine_map<(d0, d1) -> (0)>
#map1 = affine_map<(d0, d1) -> (0, 0)>
module attributes {stable_mosaic.version = 14 : i64} {
  func.func @k(%arg0: i32, %arg1: i32, %arg2: memref<100000xi32, #tpu.memory_space<hbm>>, %arg3: memref<9x128xf32, #tpu.memory_space<hbm>>, %arg4: memref<100000x128xf32, #tpu.memory_space<hbm>>, %arg5: memref<3200xi32, #tpu.memory_space<vmem>>, %arg6: memref<9x128xf32, #tpu.memory_space<vmem>>, %arg7: memref<9x128xf32, #tpu.memory_space<vmem_shared>>, %arg8: memref<240x128xf32, #tpu.memory_space<vmem>>, %arg9: memref<240x128xf32, #tpu.memory_space<vmem>>, %arg10: memref<240x128xf32, #tpu.memory_space<vmem>>, %arg11: memref<240x128xf32, #tpu.memory_space<vmem>>, %arg12: memref<!tpu.dma_semaphore, #tpu.memory_space<semaphore_mem>>, %arg13: memref<!tpu.dma_semaphore, #tpu.memory_space<semaphore_mem>>, %arg14: memref<!tpu.dma_semaphore, #tpu.memory_space<semaphore_mem>>, %arg15: memref<!tpu.dma_semaphore, #tpu.memory_space<semaphore_mem>>, %arg16: memref<!tpu.dma_semaphore, #tpu.memory_space<semaphore_mem>>, %arg17: memref<!tpu.dma_semaphore, #tpu.memory_space<semaphore_mem>>, %arg18: memref<!tpu.dma_semaphore, #tpu.memory_space<semaphore_mem>>, %arg19: memref<!tpu.dma_semaphore, #tpu.memory_space<semaphore_mem>>) attributes {dimension_semantics = [#tpu.dimension_semantics<core_parallel>, #tpu.dimension_semantics<subcore_parallel>], iteration_bounds = array<i64: 2, 16>, scalar_prefetch = 0 : i64, scratch_operands = 15 : i64, tpu.core_type = #tpu.core_type<sc_vector_subcore>, window_params = [{transform_indices = #map}, {transform_indices = #map1}, {transform_indices = #map1}]} {
    %mul3A = arith.constant 2 : i32
    %mul3A_0 = arith.muli %arg1, %mul3A : i32
    %add3A = arith.addi %mul3A_0, %arg0 : i32
    %mul3A_1 = arith.constant 3120 : i32
    %mul3A_2 = arith.muli %add3A, %mul3A_1 : i32
    %eq3A = arith.constant 0 : i32
    %eq3A_3 = arith.cmpi eq, %arg1, %eq3A : i32
    %convert_element_type3A = arith.extui %eq3A_3 : i1 to i32
    %cond3A = arith.constant 0 : i32
    %cond3A_4 = arith.cmpi ne, %convert_element_type3A, %cond3A : i32
    scf.if %cond3A_4 {
      "tpu.region"() ({
        %run_scoped3A = tpu.sem_alloc : memref<!tpu.dma_semaphore, #tpu.memory_space<semaphore_mem>>
        tpu.enqueue_dma source(%arg3 : memref<9x128xf32, #tpu.memory_space<hbm>>) target(%arg6 : memref<9x128xf32, #tpu.memory_space<vmem>>) target_semaphore(%run_scoped3A : memref<!tpu.dma_semaphore, #tpu.memory_space<semaphore_mem>>)
        tpu.wait_dma2 semaphore(%run_scoped3A : memref<!tpu.dma_semaphore, #tpu.memory_space<semaphore_mem>>) src(%arg3 : memref<9x128xf32, #tpu.memory_space<hbm>>) dst(%arg6 : memref<9x128xf32, #tpu.memory_space<vmem>>)
        tpu.yield
      }) : () -> ()
      "tpu.region"() ({
        %run_scoped3A = tpu.sem_alloc : memref<!tpu.dma_semaphore, #tpu.memory_space<semaphore_mem>>
        tpu.enqueue_dma source(%arg6 : memref<9x128xf32, #tpu.memory_space<vmem>>) target(%arg7 : memref<9x128xf32, #tpu.memory_space<vmem_shared>>) target_semaphore(%run_scoped3A : memref<!tpu.dma_semaphore, #tpu.memory_space<semaphore_mem>>)
        tpu.wait_dma2 semaphore(%run_scoped3A : memref<!tpu.dma_semaphore, #tpu.memory_space<semaphore_mem>>) src(%arg6 : memref<9x128xf32, #tpu.memory_space<vmem>>) dst(%arg7 : memref<9x128xf32, #tpu.memory_space<vmem_shared>>)
        tpu.yield
      }) : () -> ()
    } else {
    }
    %barrier3A = arith.constant 0 : index
    tpu.barrier barrier_id(%barrier3A)
    "tpu.region"() ({
      %run_scoped3A = tpu.sem_alloc : memref<!tpu.dma_semaphore, #tpu.memory_space<semaphore_mem>>
      %dma_start3A_558 = arith.constant 0 : i32
      %dma_start3A_559 = tpu.memref_slice %arg5[%dma_start3A_558] : memref<3200xi32, #tpu.memory_space<vmem>> -> memref<3120xi32, #tpu.memory_space<vmem>>
      %dma_start3A_560 = tpu.memref_slice %arg2[%mul3A_2] : memref<100000xi32, #tpu.memory_space<hbm>> -> memref<3120xi32, #tpu.memory_space<hbm>>
      %dma_start3A_561 = arith.constant 0 : i32
      %dma_start3A_562 = tpu.memref_slice %arg5[%dma_start3A_561] : memref<3200xi32, #tpu.memory_space<vmem>> -> memref<3120xi32, #tpu.memory_space<vmem>>
      %dma_start3A_563 = tpu.memref_slice %arg2[%mul3A_2] : memref<100000xi32, #tpu.memory_space<hbm>> -> memref<3120xi32, #tpu.memory_space<hbm>>
      tpu.enqueue_dma source(%dma_start3A_563 : memref<3120xi32, #tpu.memory_space<hbm>>) target(%dma_start3A_562 : memref<3120xi32, #tpu.memory_space<vmem>>) target_semaphore(%run_scoped3A : memref<!tpu.dma_semaphore, #tpu.memory_space<semaphore_mem>>)
      %dma_wait3A_564 = arith.constant 0 : i32
      %dma_wait3A_565 = tpu.memref_slice %arg5[%dma_wait3A_564] : memref<3200xi32, #tpu.memory_space<vmem>> -> memref<3120xi32, #tpu.memory_space<vmem>>
      %dma_wait3A_566 = tpu.memref_slice %arg2[%mul3A_2] : memref<100000xi32, #tpu.memory_space<hbm>> -> memref<3120xi32, #tpu.memory_space<hbm>>
      %dma_wait3A_567 = arith.constant 0 : i32
      %dma_wait3A_568 = tpu.memref_slice %arg5[%dma_wait3A_567] : memref<3200xi32, #tpu.memory_space<vmem>> -> memref<3120xi32, #tpu.memory_space<vmem>>
      %dma_wait3A_569 = tpu.memref_slice %arg2[%mul3A_2] : memref<100000xi32, #tpu.memory_space<hbm>> -> memref<3120xi32, #tpu.memory_space<hbm>>
      tpu.wait_dma2 semaphore(%run_scoped3A : memref<!tpu.dma_semaphore, #tpu.memory_space<semaphore_mem>>) src(%dma_wait3A_569 : memref<3120xi32, #tpu.memory_space<hbm>>) dst(%dma_wait3A_568 : memref<3120xi32, #tpu.memory_space<vmem>>)
      tpu.yield
    }) : () -> ()
    %lt3A = arith.constant 2 : i32
    %lt3A_5 = arith.cmpi slt, %add3A, %lt3A : i32
    %convert_element_type3A_6 = arith.extui %lt3A_5 : i1 to i32
    %cond3A_7 = arith.constant 0 : i32
    %cond3A_8 = arith.cmpi ne, %convert_element_type3A_6, %cond3A_7 : i32
    scf.if %cond3A_8 {
      %mul3A_558 = arith.constant 80 : i32
      %mul3A_559 = arith.muli %add3A, %mul3A_558 : i32
      %add3A_560 = arith.constant 99840 : i32
      %add3A_561 = arith.addi %add3A_560, %mul3A_559 : i32
      "tpu.region"() ({
        %run_scoped3A = tpu.sem_alloc : memref<!tpu.dma_semaphore, #tpu.memory_space<semaphore_mem>>
        %dma_start3A_562 = arith.constant 3120 : i32
        %dma_start3A_563 = tpu.memref_slice %arg5[%dma_start3A_562] : memref<3200xi32, #tpu.memory_space<vmem>> -> memref<80xi32, #tpu.memory_space<vmem>>
        %dma_start3A_564 = tpu.memref_slice %arg2[%add3A_561] : memref<100000xi32, #tpu.memory_space<hbm>> -> memref<80xi32, #tpu.memory_space<hbm>>
        %dma_start3A_565 = arith.constant 3120 : i32
        %dma_start3A_566 = tpu.memref_slice %arg5[%dma_start3A_565] : memref<3200xi32, #tpu.memory_space<vmem>> -> memref<80xi32, #tpu.memory_space<vmem>>
        %dma_start3A_567 = tpu.memref_slice %arg2[%add3A_561] : memref<100000xi32, #tpu.memory_space<hbm>> -> memref<80xi32, #tpu.memory_space<hbm>>
        tpu.enqueue_dma source(%dma_start3A_567 : memref<80xi32, #tpu.memory_space<hbm>>) target(%dma_start3A_566 : memref<80xi32, #tpu.memory_space<vmem>>) target_semaphore(%run_scoped3A : memref<!tpu.dma_semaphore, #tpu.memory_space<semaphore_mem>>)
        %dma_wait3A_568 = arith.constant 3120 : i32
        %dma_wait3A_569 = tpu.memref_slice %arg5[%dma_wait3A_568] : memref<3200xi32, #tpu.memory_space<vmem>> -> memref<80xi32, #tpu.memory_space<vmem>>
        %dma_wait3A_570 = tpu.memref_slice %arg2[%add3A_561] : memref<100000xi32, #tpu.memory_space<hbm>> -> memref<80xi32, #tpu.memory_space<hbm>>
        %dma_wait3A_571 = arith.constant 3120 : i32
        %dma_wait3A_572 = tpu.memref_slice %arg5[%dma_wait3A_571] : memref<3200xi32, #tpu.memory_space<vmem>> -> memref<80xi32, #tpu.memory_space<vmem>>
        %dma_wait3A_573 = tpu.memref_slice %arg2[%add3A_561] : memref<100000xi32, #tpu.memory_space<hbm>> -> memref<80xi32, #tpu.memory_space<hbm>>
        tpu.wait_dma2 semaphore(%run_scoped3A : memref<!tpu.dma_semaphore, #tpu.memory_space<semaphore_mem>>) src(%dma_wait3A_573 : memref<80xi32, #tpu.memory_space<hbm>>) dst(%dma_wait3A_572 : memref<80xi32, #tpu.memory_space<vmem>>)
        tpu.yield
      }) : () -> ()
    } else {
    }
    %dma_start3A = arith.constant 0 : i32
    %dma_start3A_9 = arith.constant 0 : i32
    %dma_start3A_10 = tpu.memref_slice %arg8[%dma_start3A, %dma_start3A_9] : memref<240x128xf32, #tpu.memory_space<vmem>> -> memref<120x128xf32, #tpu.memory_space<vmem>>
    %dma_start3A_11 = arith.constant 0 : i32
    %dma_start3A_12 = tpu.memref_slice %arg5[%dma_start3A_11] : memref<3200xi32, #tpu.memory_space<vmem>> -> memref<120xi32, #tpu.memory_space<vmem>>
    %dma_start3A_13 = arith.constant 0 : i32
    %dma_start3A_14 = arith.constant 0 : i32
    %dma_start3A_15 = tpu.memref_slice %arg7[%dma_start3A_13, %dma_start3A_14] : memref<9x128xf32, #tpu.memory_space<vmem_shared>> -> memref<9x128xf32, #tpu.memory_space<vmem_shared>>
    tpu.enqueue_indirect_dma source(%dma_start3A_15 : memref<9x128xf32, #tpu.memory_space<vmem_shared>>) target(%dma_start3A_10 : memref<120x128xf32, #tpu.memory_space<vmem>>) offsets(%dma_start3A_12 : memref<120xi32, #tpu.memory_space<vmem>>) semaphore(%arg12 : memref<!tpu.dma_semaphore, #tpu.memory_space<semaphore_mem>>)
    %dma_start3A_16 = arith.constant 120 : i32
    %dma_start3A_17 = arith.constant 0 : i32
    %dma_start3A_18 = tpu.memref_slice %arg8[%dma_start3A_16, %dma_start3A_17] : memref<240x128xf32, #tpu.memory_space<vmem>> -> memref<120x128xf32, #tpu.memory_space<vmem>>
    %dma_start3A_19 = arith.constant 120 : i32
    %dma_start3A_20 = tpu.memref_slice %arg5[%dma_start3A_19] : memref<3200xi32, #tpu.memory_space<vmem>> -> memref<120xi32, #tpu.memory_space<vmem>>
    %dma_start3A_21 = arith.constant 0 : i32
    %dma_start3A_22 = arith.constant 0 : i32
    %dma_start3A_23 = tpu.memref_slice %arg7[%dma_start3A_21, %dma_start3A_22] : memref<9x128xf32, #tpu.memory_space<vmem_shared>> -> memref<9x128xf32, #tpu.memory_space<vmem_shared>>
    tpu.enqueue_indirect_dma source(%dma_start3A_23 : memref<9x128xf32, #tpu.memory_space<vmem_shared>>) target(%dma_start3A_18 : memref<120x128xf32, #tpu.memory_space<vmem>>) offsets(%dma_start3A_20 : memref<120xi32, #tpu.memory_space<vmem>>) semaphore(%arg12 : memref<!tpu.dma_semaphore, #tpu.memory_space<semaphore_mem>>)
    %dma_start3A_24 = arith.constant 0 : i32
    %dma_start3A_25 = arith.constant 0 : i32
    %dma_start3A_26 = tpu.memref_slice %arg9[%dma_start3A_24, %dma_start3A_25] : memref<240x128xf32, #tpu.memory_space<vmem>> -> memref<120x128xf32, #tpu.memory_space<vmem>>
    %dma_start3A_27 = arith.constant 240 : i32
    %dma_start3A_28 = tpu.memref_slice %arg5[%dma_start3A_27] : memref<3200xi32, #tpu.memory_space<vmem>> -> memref<120xi32, #tpu.memory_space<vmem>>
    %dma_start3A_29 = arith.constant 0 : i32
    %dma_start3A_30 = arith.constant 0 : i32
    %dma_start3A_31 = tpu.memref_slice %arg7[%dma_start3A_29, %dma_start3A_30] : memref<9x128xf32, #tpu.memory_space<vmem_shared>> -> memref<9x128xf32, #tpu.memory_space<vmem_shared>>
    tpu.enqueue_indirect_dma source(%dma_start3A_31 : memref<9x128xf32, #tpu.memory_space<vmem_shared>>) target(%dma_start3A_26 : memref<120x128xf32, #tpu.memory_space<vmem>>) offsets(%dma_start3A_28 : memref<120xi32, #tpu.memory_space<vmem>>) semaphore(%arg13 : memref<!tpu.dma_semaphore, #tpu.memory_space<semaphore_mem>>)
    %dma_start3A_32 = arith.constant 120 : i32
    %dma_start3A_33 = arith.constant 0 : i32
    %dma_start3A_34 = tpu.memref_slice %arg9[%dma_start3A_32, %dma_start3A_33] : memref<240x128xf32, #tpu.memory_space<vmem>> -> memref<120x128xf32, #tpu.memory_space<vmem>>
    %dma_start3A_35 = arith.constant 360 : i32
    %dma_start3A_36 = tpu.memref_slice %arg5[%dma_start3A_35] : memref<3200xi32, #tpu.memory_space<vmem>> -> memref<120xi32, #tpu.memory_space<vmem>>
    %dma_start3A_37 = arith.constant 0 : i32
    %dma_start3A_38 = arith.constant 0 : i32
    %dma_start3A_39 = tpu.memref_slice %arg7[%dma_start3A_37, %dma_start3A_38] : memref<9x128xf32, #tpu.memory_space<vmem_shared>> -> memref<9x128xf32, #tpu.memory_space<vmem_shared>>
    tpu.enqueue_indirect_dma source(%dma_start3A_39 : memref<9x128xf32, #tpu.memory_space<vmem_shared>>) target(%dma_start3A_34 : memref<120x128xf32, #tpu.memory_space<vmem>>) offsets(%dma_start3A_36 : memref<120xi32, #tpu.memory_space<vmem>>) semaphore(%arg13 : memref<!tpu.dma_semaphore, #tpu.memory_space<semaphore_mem>>)
    %dma_start3A_40 = arith.constant 0 : i32
    %dma_start3A_41 = arith.constant 0 : i32
    %dma_start3A_42 = tpu.memref_slice %arg10[%dma_start3A_40, %dma_start3A_41] : memref<240x128xf32, #tpu.memory_space<vmem>> -> memref<120x128xf32, #tpu.memory_space<vmem>>
    %dma_start3A_43 = arith.constant 480 : i32
    %dma_start3A_44 = tpu.memref_slice %arg5[%dma_start3A_43] : memref<3200xi32, #tpu.memory_space<vmem>> -> memref<120xi32, #tpu.memory_space<vmem>>
    %dma_start3A_45 = arith.constant 0 : i32
    %dma_start3A_46 = arith.constant 0 : i32
    %dma_start3A_47 = tpu.memref_slice %arg7[%dma_start3A_45, %dma_start3A_46] : memref<9x128xf32, #tpu.memory_space<vmem_shared>> -> memref<9x128xf32, #tpu.memory_space<vmem_shared>>
    tpu.enqueue_indirect_dma source(%dma_start3A_47 : memref<9x128xf32, #tpu.memory_space<vmem_shared>>) target(%dma_start3A_42 : memref<120x128xf32, #tpu.memory_space<vmem>>) offsets(%dma_start3A_44 : memref<120xi32, #tpu.memory_space<vmem>>) semaphore(%arg14 : memref<!tpu.dma_semaphore, #tpu.memory_space<semaphore_mem>>)
    %dma_start3A_48 = arith.constant 120 : i32
    %dma_start3A_49 = arith.constant 0 : i32
    %dma_start3A_50 = tpu.memref_slice %arg10[%dma_start3A_48, %dma_start3A_49] : memref<240x128xf32, #tpu.memory_space<vmem>> -> memref<120x128xf32, #tpu.memory_space<vmem>>
    %dma_start3A_51 = arith.constant 600 : i32
    %dma_start3A_52 = tpu.memref_slice %arg5[%dma_start3A_51] : memref<3200xi32, #tpu.memory_space<vmem>> -> memref<120xi32, #tpu.memory_space<vmem>>
    %dma_start3A_53 = arith.constant 0 : i32
    %dma_start3A_54 = arith.constant 0 : i32
    %dma_start3A_55 = tpu.memref_slice %arg7[%dma_start3A_53, %dma_start3A_54] : memref<9x128xf32, #tpu.memory_space<vmem_shared>> -> memref<9x128xf32, #tpu.memory_space<vmem_shared>>
    tpu.enqueue_indirect_dma source(%dma_start3A_55 : memref<9x128xf32, #tpu.memory_space<vmem_shared>>) target(%dma_start3A_50 : memref<120x128xf32, #tpu.memory_space<vmem>>) offsets(%dma_start3A_52 : memref<120xi32, #tpu.memory_space<vmem>>) semaphore(%arg14 : memref<!tpu.dma_semaphore, #tpu.memory_space<semaphore_mem>>)
    %dma_wait3A = arith.constant 0 : i32
    %dma_wait3A_56 = arith.constant 0 : i32
    %dma_wait3A_57 = tpu.memref_slice %arg8[%dma_wait3A, %dma_wait3A_56] : memref<240x128xf32, #tpu.memory_space<vmem>> -> memref<120x128xf32, #tpu.memory_space<vmem>>
    %dma_wait3A_58 = arith.constant 0 : i32
    %dma_wait3A_59 = tpu.memref_slice %arg5[%dma_wait3A_58] : memref<3200xi32, #tpu.memory_space<vmem>> -> memref<120xi32, #tpu.memory_space<vmem>>
    %dma_wait3A_60 = arith.constant 0 : i32
    %dma_wait3A_61 = arith.constant 0 : i32
    %dma_wait3A_62 = tpu.memref_slice %arg7[%dma_wait3A_60, %dma_wait3A_61] : memref<9x128xf32, #tpu.memory_space<vmem_shared>> -> memref<9x128xf32, #tpu.memory_space<vmem_shared>>
    tpu.wait_indirect_dma semaphore(%arg12 : memref<!tpu.dma_semaphore, #tpu.memory_space<semaphore_mem>>) src(%dma_wait3A_62 : memref<9x128xf32, #tpu.memory_space<vmem_shared>>) dst(%dma_wait3A_57 : memref<120x128xf32, #tpu.memory_space<vmem>>)
    %dma_wait3A_63 = arith.constant 120 : i32
    %dma_wait3A_64 = arith.constant 0 : i32
    %dma_wait3A_65 = tpu.memref_slice %arg8[%dma_wait3A_63, %dma_wait3A_64] : memref<240x128xf32, #tpu.memory_space<vmem>> -> memref<120x128xf32, #tpu.memory_space<vmem>>
    %dma_wait3A_66 = arith.constant 120 : i32
    %dma_wait3A_67 = tpu.memref_slice %arg5[%dma_wait3A_66] : memref<3200xi32, #tpu.memory_space<vmem>> -> memref<120xi32, #tpu.memory_space<vmem>>
    %dma_wait3A_68 = arith.constant 0 : i32
    %dma_wait3A_69 = arith.constant 0 : i32
    %dma_wait3A_70 = tpu.memref_slice %arg7[%dma_wait3A_68, %dma_wait3A_69] : memref<9x128xf32, #tpu.memory_space<vmem_shared>> -> memref<9x128xf32, #tpu.memory_space<vmem_shared>>
    tpu.wait_indirect_dma semaphore(%arg12 : memref<!tpu.dma_semaphore, #tpu.memory_space<semaphore_mem>>) src(%dma_wait3A_70 : memref<9x128xf32, #tpu.memory_space<vmem_shared>>) dst(%dma_wait3A_65 : memref<120x128xf32, #tpu.memory_space<vmem>>)
    %add3A_71 = arith.constant 0 : i32
    %add3A_72 = arith.addi %mul3A_2, %add3A_71 : i32
    %dma_start3A_73 = arith.constant 0 : i32
    %dma_start3A_74 = tpu.memref_slice %arg4[%add3A_72, %dma_start3A_73] : memref<100000x128xf32, #tpu.memory_space<hbm>> -> memref<240x128xf32, #tpu.memory_space<hbm>>
    %dma_start3A_75 = arith.constant 0 : i32
    %dma_start3A_76 = tpu.memref_slice %arg4[%add3A_72, %dma_start3A_75] : memref<100000x128xf32, #tpu.memory_space<hbm>> -> memref<240x128xf32, #tpu.memory_space<hbm>>
    tpu.enqueue_dma source(%arg8 : memref<240x128xf32, #tpu.memory_space<vmem>>) target(%dma_start3A_76 : memref<240x128xf32, #tpu.memory_space<hbm>>) target_semaphore(%arg16 : memref<!tpu.dma_semaphore, #tpu.memory_space<semaphore_mem>>)
    %dma_start3A_77 = arith.constant 0 : i32
    %dma_start3A_78 = arith.constant 0 : i32
    %dma_start3A_79 = tpu.memref_slice %arg11[%dma_start3A_77, %dma_start3A_78] : memref<240x128xf32, #tpu.memory_space<vmem>> -> memref<120x128xf32, #tpu.memory_space<vmem>>
    %dma_start3A_80 = arith.constant 720 : i32
    %dma_start3A_81 = tpu.memref_slice %arg5[%dma_start3A_80] : memref<3200xi32, #tpu.memory_space<vmem>> -> memref<120xi32, #tpu.memory_space<vmem>>
    %dma_start3A_82 = arith.constant 0 : i32
    %dma_start3A_83 = arith.constant 0 : i32
    %dma_start3A_84 = tpu.memref_slice %arg7[%dma_start3A_82, %dma_start3A_83] : memref<9x128xf32, #tpu.memory_space<vmem_shared>> -> memref<9x128xf32, #tpu.memory_space<vmem_shared>>
    tpu.enqueue_indirect_dma source(%dma_start3A_84 : memref<9x128xf32, #tpu.memory_space<vmem_shared>>) target(%dma_start3A_79 : memref<120x128xf32, #tpu.memory_space<vmem>>) offsets(%dma_start3A_81 : memref<120xi32, #tpu.memory_space<vmem>>) semaphore(%arg15 : memref<!tpu.dma_semaphore, #tpu.memory_space<semaphore_mem>>)
    %dma_start3A_85 = arith.constant 120 : i32
    %dma_start3A_86 = arith.constant 0 : i32
    %dma_start3A_87 = tpu.memref_slice %arg11[%dma_start3A_85, %dma_start3A_86] : memref<240x128xf32, #tpu.memory_space<vmem>> -> memref<120x128xf32, #tpu.memory_space<vmem>>
    %dma_start3A_88 = arith.constant 840 : i32
    %dma_start3A_89 = tpu.memref_slice %arg5[%dma_start3A_88] : memref<3200xi32, #tpu.memory_space<vmem>> -> memref<120xi32, #tpu.memory_space<vmem>>
    %dma_start3A_90 = arith.constant 0 : i32
    %dma_start3A_91 = arith.constant 0 : i32
    %dma_start3A_92 = tpu.memref_slice %arg7[%dma_start3A_90, %dma_start3A_91] : memref<9x128xf32, #tpu.memory_space<vmem_shared>> -> memref<9x128xf32, #tpu.memory_space<vmem_shared>>
    tpu.enqueue_indirect_dma source(%dma_start3A_92 : memref<9x128xf32, #tpu.memory_space<vmem_shared>>) target(%dma_start3A_87 : memref<120x128xf32, #tpu.memory_space<vmem>>) offsets(%dma_start3A_89 : memref<120xi32, #tpu.memory_space<vmem>>) semaphore(%arg15 : memref<!tpu.dma_semaphore, #tpu.memory_space<semaphore_mem>>)
    %dma_wait3A_93 = arith.constant 0 : i32
    %dma_wait3A_94 = arith.constant 0 : i32
    %dma_wait3A_95 = tpu.memref_slice %arg9[%dma_wait3A_93, %dma_wait3A_94] : memref<240x128xf32, #tpu.memory_space<vmem>> -> memref<120x128xf32, #tpu.memory_space<vmem>>
    %dma_wait3A_96 = arith.constant 240 : i32
    %dma_wait3A_97 = tpu.memref_slice %arg5[%dma_wait3A_96] : memref<3200xi32, #tpu.memory_space<vmem>> -> memref<120xi32, #tpu.memory_space<vmem>>
    %dma_wait3A_98 = arith.constant 0 : i32
    %dma_wait3A_99 = arith.constant 0 : i32
    %dma_wait3A_100 = tpu.memref_slice %arg7[%dma_wait3A_98, %dma_wait3A_99] : memref<9x128xf32, #tpu.memory_space<vmem_shared>> -> memref<9x128xf32, #tpu.memory_space<vmem_shared>>
    tpu.wait_indirect_dma semaphore(%arg13 : memref<!tpu.dma_semaphore, #tpu.memory_space<semaphore_mem>>) src(%dma_wait3A_100 : memref<9x128xf32, #tpu.memory_space<vmem_shared>>) dst(%dma_wait3A_95 : memref<120x128xf32, #tpu.memory_space<vmem>>)
    %dma_wait3A_101 = arith.constant 120 : i32
    %dma_wait3A_102 = arith.constant 0 : i32
    %dma_wait3A_103 = tpu.memref_slice %arg9[%dma_wait3A_101, %dma_wait3A_102] : memref<240x128xf32, #tpu.memory_space<vmem>> -> memref<120x128xf32, #tpu.memory_space<vmem>>
    %dma_wait3A_104 = arith.constant 360 : i32
    %dma_wait3A_105 = tpu.memref_slice %arg5[%dma_wait3A_104] : memref<3200xi32, #tpu.memory_space<vmem>> -> memref<120xi32, #tpu.memory_space<vmem>>
    %dma_wait3A_106 = arith.constant 0 : i32
    %dma_wait3A_107 = arith.constant 0 : i32
    %dma_wait3A_108 = tpu.memref_slice %arg7[%dma_wait3A_106, %dma_wait3A_107] : memref<9x128xf32, #tpu.memory_space<vmem_shared>> -> memref<9x128xf32, #tpu.memory_space<vmem_shared>>
    tpu.wait_indirect_dma semaphore(%arg13 : memref<!tpu.dma_semaphore, #tpu.memory_space<semaphore_mem>>) src(%dma_wait3A_108 : memref<9x128xf32, #tpu.memory_space<vmem_shared>>) dst(%dma_wait3A_103 : memref<120x128xf32, #tpu.memory_space<vmem>>)
    %add3A_109 = arith.constant 240 : i32
    %add3A_110 = arith.addi %mul3A_2, %add3A_109 : i32
    %dma_start3A_111 = arith.constant 0 : i32
    %dma_start3A_112 = tpu.memref_slice %arg4[%add3A_110, %dma_start3A_111] : memref<100000x128xf32, #tpu.memory_space<hbm>> -> memref<240x128xf32, #tpu.memory_space<hbm>>
    %dma_start3A_113 = arith.constant 0 : i32
    %dma_start3A_114 = tpu.memref_slice %arg4[%add3A_110, %dma_start3A_113] : memref<100000x128xf32, #tpu.memory_space<hbm>> -> memref<240x128xf32, #tpu.memory_space<hbm>>
    tpu.enqueue_dma source(%arg9 : memref<240x128xf32, #tpu.memory_space<vmem>>) target(%dma_start3A_114 : memref<240x128xf32, #tpu.memory_space<hbm>>) target_semaphore(%arg17 : memref<!tpu.dma_semaphore, #tpu.memory_space<semaphore_mem>>)
    %dma_wait3A_115 = arith.constant 0 : i32
    %dma_wait3A_116 = tpu.memref_slice %arg4[%add3A_72, %dma_wait3A_115] : memref<100000x128xf32, #tpu.memory_space<hbm>> -> memref<240x128xf32, #tpu.memory_space<hbm>>
    %dma_wait3A_117 = arith.constant 0 : i32
    %dma_wait3A_118 = tpu.memref_slice %arg4[%add3A_72, %dma_wait3A_117] : memref<100000x128xf32, #tpu.memory_space<hbm>> -> memref<240x128xf32, #tpu.memory_space<hbm>>
    tpu.wait_dma2 semaphore(%arg16 : memref<!tpu.dma_semaphore, #tpu.memory_space<semaphore_mem>>) src(%arg8 : memref<240x128xf32, #tpu.memory_space<vmem>>) dst(%dma_wait3A_118 : memref<240x128xf32, #tpu.memory_space<hbm>>)
    %dma_start3A_119 = arith.constant 0 : i32
    %dma_start3A_120 = arith.constant 0 : i32
    %dma_start3A_121 = tpu.memref_slice %arg8[%dma_start3A_119, %dma_start3A_120] : memref<240x128xf32, #tpu.memory_space<vmem>> -> memref<120x128xf32, #tpu.memory_space<vmem>>
    %dma_start3A_122 = arith.constant 960 : i32
    %dma_start3A_123 = tpu.memref_slice %arg5[%dma_start3A_122] : memref<3200xi32, #tpu.memory_space<vmem>> -> memref<120xi32, #tpu.memory_space<vmem>>
    %dma_start3A_124 = arith.constant 0 : i32
    %dma_start3A_125 = arith.constant 0 : i32
    %dma_start3A_126 = tpu.memref_slice %arg7[%dma_start3A_124, %dma_start3A_125] : memref<9x128xf32, #tpu.memory_space<vmem_shared>> -> memref<9x128xf32, #tpu.memory_space<vmem_shared>>
    tpu.enqueue_indirect_dma source(%dma_start3A_126 : memref<9x128xf32, #tpu.memory_space<vmem_shared>>) target(%dma_start3A_121 : memref<120x128xf32, #tpu.memory_space<vmem>>) offsets(%dma_start3A_123 : memref<120xi32, #tpu.memory_space<vmem>>) semaphore(%arg12 : memref<!tpu.dma_semaphore, #tpu.memory_space<semaphore_mem>>)
    %dma_start3A_127 = arith.constant 120 : i32
    %dma_start3A_128 = arith.constant 0 : i32
    %dma_start3A_129 = tpu.memref_slice %arg8[%dma_start3A_127, %dma_start3A_128] : memref<240x128xf32, #tpu.memory_space<vmem>> -> memref<120x128xf32, #tpu.memory_space<vmem>>
    %dma_start3A_130 = arith.constant 1080 : i32
    %dma_start3A_131 = tpu.memref_slice %arg5[%dma_start3A_130] : memref<3200xi32, #tpu.memory_space<vmem>> -> memref<120xi32, #tpu.memory_space<vmem>>
    %dma_start3A_132 = arith.constant 0 : i32
    %dma_start3A_133 = arith.constant 0 : i32
    %dma_start3A_134 = tpu.memref_slice %arg7[%dma_start3A_132, %dma_start3A_133] : memref<9x128xf32, #tpu.memory_space<vmem_shared>> -> memref<9x128xf32, #tpu.memory_space<vmem_shared>>
    tpu.enqueue_indirect_dma source(%dma_start3A_134 : memref<9x128xf32, #tpu.memory_space<vmem_shared>>) target(%dma_start3A_129 : memref<120x128xf32, #tpu.memory_space<vmem>>) offsets(%dma_start3A_131 : memref<120xi32, #tpu.memory_space<vmem>>) semaphore(%arg12 : memref<!tpu.dma_semaphore, #tpu.memory_space<semaphore_mem>>)
    %dma_wait3A_135 = arith.constant 0 : i32
    %dma_wait3A_136 = arith.constant 0 : i32
    %dma_wait3A_137 = tpu.memref_slice %arg10[%dma_wait3A_135, %dma_wait3A_136] : memref<240x128xf32, #tpu.memory_space<vmem>> -> memref<120x128xf32, #tpu.memory_space<vmem>>
    %dma_wait3A_138 = arith.constant 480 : i32
    %dma_wait3A_139 = tpu.memref_slice %arg5[%dma_wait3A_138] : memref<3200xi32, #tpu.memory_space<vmem>> -> memref<120xi32, #tpu.memory_space<vmem>>
    %dma_wait3A_140 = arith.constant 0 : i32
    %dma_wait3A_141 = arith.constant 0 : i32
    %dma_wait3A_142 = tpu.memref_slice %arg7[%dma_wait3A_140, %dma_wait3A_141] : memref<9x128xf32, #tpu.memory_space<vmem_shared>> -> memref<9x128xf32, #tpu.memory_space<vmem_shared>>
    tpu.wait_indirect_dma semaphore(%arg14 : memref<!tpu.dma_semaphore, #tpu.memory_space<semaphore_mem>>) src(%dma_wait3A_142 : memref<9x128xf32, #tpu.memory_space<vmem_shared>>) dst(%dma_wait3A_137 : memref<120x128xf32, #tpu.memory_space<vmem>>)
    %dma_wait3A_143 = arith.constant 120 : i32
    %dma_wait3A_144 = arith.constant 0 : i32
    %dma_wait3A_145 = tpu.memref_slice %arg10[%dma_wait3A_143, %dma_wait3A_144] : memref<240x128xf32, #tpu.memory_space<vmem>> -> memref<120x128xf32, #tpu.memory_space<vmem>>
    %dma_wait3A_146 = arith.constant 600 : i32
    %dma_wait3A_147 = tpu.memref_slice %arg5[%dma_wait3A_146] : memref<3200xi32, #tpu.memory_space<vmem>> -> memref<120xi32, #tpu.memory_space<vmem>>
    %dma_wait3A_148 = arith.constant 0 : i32
    %dma_wait3A_149 = arith.constant 0 : i32
    %dma_wait3A_150 = tpu.memref_slice %arg7[%dma_wait3A_148, %dma_wait3A_149] : memref<9x128xf32, #tpu.memory_space<vmem_shared>> -> memref<9x128xf32, #tpu.memory_space<vmem_shared>>
    tpu.wait_indirect_dma semaphore(%arg14 : memref<!tpu.dma_semaphore, #tpu.memory_space<semaphore_mem>>) src(%dma_wait3A_150 : memref<9x128xf32, #tpu.memory_space<vmem_shared>>) dst(%dma_wait3A_145 : memref<120x128xf32, #tpu.memory_space<vmem>>)
    %add3A_151 = arith.constant 480 : i32
    %add3A_152 = arith.addi %mul3A_2, %add3A_151 : i32
    %dma_start3A_153 = arith.constant 0 : i32
    %dma_start3A_154 = tpu.memref_slice %arg4[%add3A_152, %dma_start3A_153] : memref<100000x128xf32, #tpu.memory_space<hbm>> -> memref<240x128xf32, #tpu.memory_space<hbm>>
    %dma_start3A_155 = arith.constant 0 : i32
    %dma_start3A_156 = tpu.memref_slice %arg4[%add3A_152, %dma_start3A_155] : memref<100000x128xf32, #tpu.memory_space<hbm>> -> memref<240x128xf32, #tpu.memory_space<hbm>>
    tpu.enqueue_dma source(%arg10 : memref<240x128xf32, #tpu.memory_space<vmem>>) target(%dma_start3A_156 : memref<240x128xf32, #tpu.memory_space<hbm>>) target_semaphore(%arg18 : memref<!tpu.dma_semaphore, #tpu.memory_space<semaphore_mem>>)
    %dma_wait3A_157 = arith.constant 0 : i32
    %dma_wait3A_158 = tpu.memref_slice %arg4[%add3A_110, %dma_wait3A_157] : memref<100000x128xf32, #tpu.memory_space<hbm>> -> memref<240x128xf32, #tpu.memory_space<hbm>>
    %dma_wait3A_159 = arith.constant 0 : i32
    %dma_wait3A_160 = tpu.memref_slice %arg4[%add3A_110, %dma_wait3A_159] : memref<100000x128xf32, #tpu.memory_space<hbm>> -> memref<240x128xf32, #tpu.memory_space<hbm>>
    tpu.wait_dma2 semaphore(%arg17 : memref<!tpu.dma_semaphore, #tpu.memory_space<semaphore_mem>>) src(%arg9 : memref<240x128xf32, #tpu.memory_space<vmem>>) dst(%dma_wait3A_160 : memref<240x128xf32, #tpu.memory_space<hbm>>)
    %dma_start3A_161 = arith.constant 0 : i32
    %dma_start3A_162 = arith.constant 0 : i32
    %dma_start3A_163 = tpu.memref_slice %arg9[%dma_start3A_161, %dma_start3A_162] : memref<240x128xf32, #tpu.memory_space<vmem>> -> memref<120x128xf32, #tpu.memory_space<vmem>>
    %dma_start3A_164 = arith.constant 1200 : i32
    %dma_start3A_165 = tpu.memref_slice %arg5[%dma_start3A_164] : memref<3200xi32, #tpu.memory_space<vmem>> -> memref<120xi32, #tpu.memory_space<vmem>>
    %dma_start3A_166 = arith.constant 0 : i32
    %dma_start3A_167 = arith.constant 0 : i32
    %dma_start3A_168 = tpu.memref_slice %arg7[%dma_start3A_166, %dma_start3A_167] : memref<9x128xf32, #tpu.memory_space<vmem_shared>> -> memref<9x128xf32, #tpu.memory_space<vmem_shared>>
    tpu.enqueue_indirect_dma source(%dma_start3A_168 : memref<9x128xf32, #tpu.memory_space<vmem_shared>>) target(%dma_start3A_163 : memref<120x128xf32, #tpu.memory_space<vmem>>) offsets(%dma_start3A_165 : memref<120xi32, #tpu.memory_space<vmem>>) semaphore(%arg13 : memref<!tpu.dma_semaphore, #tpu.memory_space<semaphore_mem>>)
    %dma_start3A_169 = arith.constant 120 : i32
    %dma_start3A_170 = arith.constant 0 : i32
    %dma_start3A_171 = tpu.memref_slice %arg9[%dma_start3A_169, %dma_start3A_170] : memref<240x128xf32, #tpu.memory_space<vmem>> -> memref<120x128xf32, #tpu.memory_space<vmem>>
    %dma_start3A_172 = arith.constant 1320 : i32
    %dma_start3A_173 = tpu.memref_slice %arg5[%dma_start3A_172] : memref<3200xi32, #tpu.memory_space<vmem>> -> memref<120xi32, #tpu.memory_space<vmem>>
    %dma_start3A_174 = arith.constant 0 : i32
    %dma_start3A_175 = arith.constant 0 : i32
    %dma_start3A_176 = tpu.memref_slice %arg7[%dma_start3A_174, %dma_start3A_175] : memref<9x128xf32, #tpu.memory_space<vmem_shared>> -> memref<9x128xf32, #tpu.memory_space<vmem_shared>>
    tpu.enqueue_indirect_dma source(%dma_start3A_176 : memref<9x128xf32, #tpu.memory_space<vmem_shared>>) target(%dma_start3A_171 : memref<120x128xf32, #tpu.memory_space<vmem>>) offsets(%dma_start3A_173 : memref<120xi32, #tpu.memory_space<vmem>>) semaphore(%arg13 : memref<!tpu.dma_semaphore, #tpu.memory_space<semaphore_mem>>)
    %dma_wait3A_177 = arith.constant 0 : i32
    %dma_wait3A_178 = arith.constant 0 : i32
    %dma_wait3A_179 = tpu.memref_slice %arg11[%dma_wait3A_177, %dma_wait3A_178] : memref<240x128xf32, #tpu.memory_space<vmem>> -> memref<120x128xf32, #tpu.memory_space<vmem>>
    %dma_wait3A_180 = arith.constant 720 : i32
    %dma_wait3A_181 = tpu.memref_slice %arg5[%dma_wait3A_180] : memref<3200xi32, #tpu.memory_space<vmem>> -> memref<120xi32, #tpu.memory_space<vmem>>
    %dma_wait3A_182 = arith.constant 0 : i32
    %dma_wait3A_183 = arith.constant 0 : i32
    %dma_wait3A_184 = tpu.memref_slice %arg7[%dma_wait3A_182, %dma_wait3A_183] : memref<9x128xf32, #tpu.memory_space<vmem_shared>> -> memref<9x128xf32, #tpu.memory_space<vmem_shared>>
    tpu.wait_indirect_dma semaphore(%arg15 : memref<!tpu.dma_semaphore, #tpu.memory_space<semaphore_mem>>) src(%dma_wait3A_184 : memref<9x128xf32, #tpu.memory_space<vmem_shared>>) dst(%dma_wait3A_179 : memref<120x128xf32, #tpu.memory_space<vmem>>)
    %dma_wait3A_185 = arith.constant 120 : i32
    %dma_wait3A_186 = arith.constant 0 : i32
    %dma_wait3A_187 = tpu.memref_slice %arg11[%dma_wait3A_185, %dma_wait3A_186] : memref<240x128xf32, #tpu.memory_space<vmem>> -> memref<120x128xf32, #tpu.memory_space<vmem>>
    %dma_wait3A_188 = arith.constant 840 : i32
    %dma_wait3A_189 = tpu.memref_slice %arg5[%dma_wait3A_188] : memref<3200xi32, #tpu.memory_space<vmem>> -> memref<120xi32, #tpu.memory_space<vmem>>
    %dma_wait3A_190 = arith.constant 0 : i32
    %dma_wait3A_191 = arith.constant 0 : i32
    %dma_wait3A_192 = tpu.memref_slice %arg7[%dma_wait3A_190, %dma_wait3A_191] : memref<9x128xf32, #tpu.memory_space<vmem_shared>> -> memref<9x128xf32, #tpu.memory_space<vmem_shared>>
    tpu.wait_indirect_dma semaphore(%arg15 : memref<!tpu.dma_semaphore, #tpu.memory_space<semaphore_mem>>) src(%dma_wait3A_192 : memref<9x128xf32, #tpu.memory_space<vmem_shared>>) dst(%dma_wait3A_187 : memref<120x128xf32, #tpu.memory_space<vmem>>)
    %add3A_193 = arith.constant 720 : i32
    %add3A_194 = arith.addi %mul3A_2, %add3A_193 : i32
    %dma_start3A_195 = arith.constant 0 : i32
    %dma_start3A_196 = tpu.memref_slice %arg4[%add3A_194, %dma_start3A_195] : memref<100000x128xf32, #tpu.memory_space<hbm>> -> memref<240x128xf32, #tpu.memory_space<hbm>>
    %dma_start3A_197 = arith.constant 0 : i32
    %dma_start3A_198 = tpu.memref_slice %arg4[%add3A_194, %dma_start3A_197] : memref<100000x128xf32, #tpu.memory_space<hbm>> -> memref<240x128xf32, #tpu.memory_space<hbm>>
    tpu.enqueue_dma source(%arg11 : memref<240x128xf32, #tpu.memory_space<vmem>>) target(%dma_start3A_198 : memref<240x128xf32, #tpu.memory_space<hbm>>) target_semaphore(%arg19 : memref<!tpu.dma_semaphore, #tpu.memory_space<semaphore_mem>>)
    %dma_wait3A_199 = arith.constant 0 : i32
    %dma_wait3A_200 = tpu.memref_slice %arg4[%add3A_152, %dma_wait3A_199] : memref<100000x128xf32, #tpu.memory_space<hbm>> -> memref<240x128xf32, #tpu.memory_space<hbm>>
    %dma_wait3A_201 = arith.constant 0 : i32
    %dma_wait3A_202 = tpu.memref_slice %arg4[%add3A_152, %dma_wait3A_201] : memref<100000x128xf32, #tpu.memory_space<hbm>> -> memref<240x128xf32, #tpu.memory_space<hbm>>
    tpu.wait_dma2 semaphore(%arg18 : memref<!tpu.dma_semaphore, #tpu.memory_space<semaphore_mem>>) src(%arg10 : memref<240x128xf32, #tpu.memory_space<vmem>>) dst(%dma_wait3A_202 : memref<240x128xf32, #tpu.memory_space<hbm>>)
    %dma_start3A_203 = arith.constant 0 : i32
    %dma_start3A_204 = arith.constant 0 : i32
    %dma_start3A_205 = tpu.memref_slice %arg10[%dma_start3A_203, %dma_start3A_204] : memref<240x128xf32, #tpu.memory_space<vmem>> -> memref<120x128xf32, #tpu.memory_space<vmem>>
    %dma_start3A_206 = arith.constant 1440 : i32
    %dma_start3A_207 = tpu.memref_slice %arg5[%dma_start3A_206] : memref<3200xi32, #tpu.memory_space<vmem>> -> memref<120xi32, #tpu.memory_space<vmem>>
    %dma_start3A_208 = arith.constant 0 : i32
    %dma_start3A_209 = arith.constant 0 : i32
    %dma_start3A_210 = tpu.memref_slice %arg7[%dma_start3A_208, %dma_start3A_209] : memref<9x128xf32, #tpu.memory_space<vmem_shared>> -> memref<9x128xf32, #tpu.memory_space<vmem_shared>>
    tpu.enqueue_indirect_dma source(%dma_start3A_210 : memref<9x128xf32, #tpu.memory_space<vmem_shared>>) target(%dma_start3A_205 : memref<120x128xf32, #tpu.memory_space<vmem>>) offsets(%dma_start3A_207 : memref<120xi32, #tpu.memory_space<vmem>>) semaphore(%arg14 : memref<!tpu.dma_semaphore, #tpu.memory_space<semaphore_mem>>)
    %dma_start3A_211 = arith.constant 120 : i32
    %dma_start3A_212 = arith.constant 0 : i32
    %dma_start3A_213 = tpu.memref_slice %arg10[%dma_start3A_211, %dma_start3A_212] : memref<240x128xf32, #tpu.memory_space<vmem>> -> memref<120x128xf32, #tpu.memory_space<vmem>>
    %dma_start3A_214 = arith.constant 1560 : i32
    %dma_start3A_215 = tpu.memref_slice %arg5[%dma_start3A_214] : memref<3200xi32, #tpu.memory_space<vmem>> -> memref<120xi32, #tpu.memory_space<vmem>>
    %dma_start3A_216 = arith.constant 0 : i32
    %dma_start3A_217 = arith.constant 0 : i32
    %dma_start3A_218 = tpu.memref_slice %arg7[%dma_start3A_216, %dma_start3A_217] : memref<9x128xf32, #tpu.memory_space<vmem_shared>> -> memref<9x128xf32, #tpu.memory_space<vmem_shared>>
    tpu.enqueue_indirect_dma source(%dma_start3A_218 : memref<9x128xf32, #tpu.memory_space<vmem_shared>>) target(%dma_start3A_213 : memref<120x128xf32, #tpu.memory_space<vmem>>) offsets(%dma_start3A_215 : memref<120xi32, #tpu.memory_space<vmem>>) semaphore(%arg14 : memref<!tpu.dma_semaphore, #tpu.memory_space<semaphore_mem>>)
    %dma_wait3A_219 = arith.constant 0 : i32
    %dma_wait3A_220 = arith.constant 0 : i32
    %dma_wait3A_221 = tpu.memref_slice %arg8[%dma_wait3A_219, %dma_wait3A_220] : memref<240x128xf32, #tpu.memory_space<vmem>> -> memref<120x128xf32, #tpu.memory_space<vmem>>
    %dma_wait3A_222 = arith.constant 960 : i32
    %dma_wait3A_223 = tpu.memref_slice %arg5[%dma_wait3A_222] : memref<3200xi32, #tpu.memory_space<vmem>> -> memref<120xi32, #tpu.memory_space<vmem>>
    %dma_wait3A_224 = arith.constant 0 : i32
    %dma_wait3A_225 = arith.constant 0 : i32
    %dma_wait3A_226 = tpu.memref_slice %arg7[%dma_wait3A_224, %dma_wait3A_225] : memref<9x128xf32, #tpu.memory_space<vmem_shared>> -> memref<9x128xf32, #tpu.memory_space<vmem_shared>>
    tpu.wait_indirect_dma semaphore(%arg12 : memref<!tpu.dma_semaphore, #tpu.memory_space<semaphore_mem>>) src(%dma_wait3A_226 : memref<9x128xf32, #tpu.memory_space<vmem_shared>>) dst(%dma_wait3A_221 : memref<120x128xf32, #tpu.memory_space<vmem>>)
    %dma_wait3A_227 = arith.constant 120 : i32
    %dma_wait3A_228 = arith.constant 0 : i32
    %dma_wait3A_229 = tpu.memref_slice %arg8[%dma_wait3A_227, %dma_wait3A_228] : memref<240x128xf32, #tpu.memory_space<vmem>> -> memref<120x128xf32, #tpu.memory_space<vmem>>
    %dma_wait3A_230 = arith.constant 1080 : i32
    %dma_wait3A_231 = tpu.memref_slice %arg5[%dma_wait3A_230] : memref<3200xi32, #tpu.memory_space<vmem>> -> memref<120xi32, #tpu.memory_space<vmem>>
    %dma_wait3A_232 = arith.constant 0 : i32
    %dma_wait3A_233 = arith.constant 0 : i32
    %dma_wait3A_234 = tpu.memref_slice %arg7[%dma_wait3A_232, %dma_wait3A_233] : memref<9x128xf32, #tpu.memory_space<vmem_shared>> -> memref<9x128xf32, #tpu.memory_space<vmem_shared>>
    tpu.wait_indirect_dma semaphore(%arg12 : memref<!tpu.dma_semaphore, #tpu.memory_space<semaphore_mem>>) src(%dma_wait3A_234 : memref<9x128xf32, #tpu.memory_space<vmem_shared>>) dst(%dma_wait3A_229 : memref<120x128xf32, #tpu.memory_space<vmem>>)
    %add3A_235 = arith.constant 960 : i32
    %add3A_236 = arith.addi %mul3A_2, %add3A_235 : i32
    %dma_start3A_237 = arith.constant 0 : i32
    %dma_start3A_238 = tpu.memref_slice %arg4[%add3A_236, %dma_start3A_237] : memref<100000x128xf32, #tpu.memory_space<hbm>> -> memref<240x128xf32, #tpu.memory_space<hbm>>
    %dma_start3A_239 = arith.constant 0 : i32
    %dma_start3A_240 = tpu.memref_slice %arg4[%add3A_236, %dma_start3A_239] : memref<100000x128xf32, #tpu.memory_space<hbm>> -> memref<240x128xf32, #tpu.memory_space<hbm>>
    tpu.enqueue_dma source(%arg8 : memref<240x128xf32, #tpu.memory_space<vmem>>) target(%dma_start3A_240 : memref<240x128xf32, #tpu.memory_space<hbm>>) target_semaphore(%arg16 : memref<!tpu.dma_semaphore, #tpu.memory_space<semaphore_mem>>)
    %dma_wait3A_241 = arith.constant 0 : i32
    %dma_wait3A_242 = tpu.memref_slice %arg4[%add3A_194, %dma_wait3A_241] : memref<100000x128xf32, #tpu.memory_space<hbm>> -> memref<240x128xf32, #tpu.memory_space<hbm>>
    %dma_wait3A_243 = arith.constant 0 : i32
    %dma_wait3A_244 = tpu.memref_slice %arg4[%add3A_194, %dma_wait3A_243] : memref<100000x128xf32, #tpu.memory_space<hbm>> -> memref<240x128xf32, #tpu.memory_space<hbm>>
    tpu.wait_dma2 semaphore(%arg19 : memref<!tpu.dma_semaphore, #tpu.memory_space<semaphore_mem>>) src(%arg11 : memref<240x128xf32, #tpu.memory_space<vmem>>) dst(%dma_wait3A_244 : memref<240x128xf32, #tpu.memory_space<hbm>>)
    %dma_start3A_245 = arith.constant 0 : i32
    %dma_start3A_246 = arith.constant 0 : i32
    %dma_start3A_247 = tpu.memref_slice %arg11[%dma_start3A_245, %dma_start3A_246] : memref<240x128xf32, #tpu.memory_space<vmem>> -> memref<120x128xf32, #tpu.memory_space<vmem>>
    %dma_start3A_248 = arith.constant 1680 : i32
    %dma_start3A_249 = tpu.memref_slice %arg5[%dma_start3A_248] : memref<3200xi32, #tpu.memory_space<vmem>> -> memref<120xi32, #tpu.memory_space<vmem>>
    %dma_start3A_250 = arith.constant 0 : i32
    %dma_start3A_251 = arith.constant 0 : i32
    %dma_start3A_252 = tpu.memref_slice %arg7[%dma_start3A_250, %dma_start3A_251] : memref<9x128xf32, #tpu.memory_space<vmem_shared>> -> memref<9x128xf32, #tpu.memory_space<vmem_shared>>
    tpu.enqueue_indirect_dma source(%dma_start3A_252 : memref<9x128xf32, #tpu.memory_space<vmem_shared>>) target(%dma_start3A_247 : memref<120x128xf32, #tpu.memory_space<vmem>>) offsets(%dma_start3A_249 : memref<120xi32, #tpu.memory_space<vmem>>) semaphore(%arg15 : memref<!tpu.dma_semaphore, #tpu.memory_space<semaphore_mem>>)
    %dma_start3A_253 = arith.constant 120 : i32
    %dma_start3A_254 = arith.constant 0 : i32
    %dma_start3A_255 = tpu.memref_slice %arg11[%dma_start3A_253, %dma_start3A_254] : memref<240x128xf32, #tpu.memory_space<vmem>> -> memref<120x128xf32, #tpu.memory_space<vmem>>
    %dma_start3A_256 = arith.constant 1800 : i32
    %dma_start3A_257 = tpu.memref_slice %arg5[%dma_start3A_256] : memref<3200xi32, #tpu.memory_space<vmem>> -> memref<120xi32, #tpu.memory_space<vmem>>
    %dma_start3A_258 = arith.constant 0 : i32
    %dma_start3A_259 = arith.constant 0 : i32
    %dma_start3A_260 = tpu.memref_slice %arg7[%dma_start3A_258, %dma_start3A_259] : memref<9x128xf32, #tpu.memory_space<vmem_shared>> -> memref<9x128xf32, #tpu.memory_space<vmem_shared>>
    tpu.enqueue_indirect_dma source(%dma_start3A_260 : memref<9x128xf32, #tpu.memory_space<vmem_shared>>) target(%dma_start3A_255 : memref<120x128xf32, #tpu.memory_space<vmem>>) offsets(%dma_start3A_257 : memref<120xi32, #tpu.memory_space<vmem>>) semaphore(%arg15 : memref<!tpu.dma_semaphore, #tpu.memory_space<semaphore_mem>>)
    %dma_wait3A_261 = arith.constant 0 : i32
    %dma_wait3A_262 = arith.constant 0 : i32
    %dma_wait3A_263 = tpu.memref_slice %arg9[%dma_wait3A_261, %dma_wait3A_262] : memref<240x128xf32, #tpu.memory_space<vmem>> -> memref<120x128xf32, #tpu.memory_space<vmem>>
    %dma_wait3A_264 = arith.constant 1200 : i32
    %dma_wait3A_265 = tpu.memref_slice %arg5[%dma_wait3A_264] : memref<3200xi32, #tpu.memory_space<vmem>> -> memref<120xi32, #tpu.memory_space<vmem>>
    %dma_wait3A_266 = arith.constant 0 : i32
    %dma_wait3A_267 = arith.constant 0 : i32
    %dma_wait3A_268 = tpu.memref_slice %arg7[%dma_wait3A_266, %dma_wait3A_267] : memref<9x128xf32, #tpu.memory_space<vmem_shared>> -> memref<9x128xf32, #tpu.memory_space<vmem_shared>>
    tpu.wait_indirect_dma semaphore(%arg13 : memref<!tpu.dma_semaphore, #tpu.memory_space<semaphore_mem>>) src(%dma_wait3A_268 : memref<9x128xf32, #tpu.memory_space<vmem_shared>>) dst(%dma_wait3A_263 : memref<120x128xf32, #tpu.memory_space<vmem>>)
    %dma_wait3A_269 = arith.constant 120 : i32
    %dma_wait3A_270 = arith.constant 0 : i32
    %dma_wait3A_271 = tpu.memref_slice %arg9[%dma_wait3A_269, %dma_wait3A_270] : memref<240x128xf32, #tpu.memory_space<vmem>> -> memref<120x128xf32, #tpu.memory_space<vmem>>
    %dma_wait3A_272 = arith.constant 1320 : i32
    %dma_wait3A_273 = tpu.memref_slice %arg5[%dma_wait3A_272] : memref<3200xi32, #tpu.memory_space<vmem>> -> memref<120xi32, #tpu.memory_space<vmem>>
    %dma_wait3A_274 = arith.constant 0 : i32
    %dma_wait3A_275 = arith.constant 0 : i32
    %dma_wait3A_276 = tpu.memref_slice %arg7[%dma_wait3A_274, %dma_wait3A_275] : memref<9x128xf32, #tpu.memory_space<vmem_shared>> -> memref<9x128xf32, #tpu.memory_space<vmem_shared>>
    tpu.wait_indirect_dma semaphore(%arg13 : memref<!tpu.dma_semaphore, #tpu.memory_space<semaphore_mem>>) src(%dma_wait3A_276 : memref<9x128xf32, #tpu.memory_space<vmem_shared>>) dst(%dma_wait3A_271 : memref<120x128xf32, #tpu.memory_space<vmem>>)
    %add3A_277 = arith.constant 1200 : i32
    %add3A_278 = arith.addi %mul3A_2, %add3A_277 : i32
    %dma_start3A_279 = arith.constant 0 : i32
    %dma_start3A_280 = tpu.memref_slice %arg4[%add3A_278, %dma_start3A_279] : memref<100000x128xf32, #tpu.memory_space<hbm>> -> memref<240x128xf32, #tpu.memory_space<hbm>>
    %dma_start3A_281 = arith.constant 0 : i32
    %dma_start3A_282 = tpu.memref_slice %arg4[%add3A_278, %dma_start3A_281] : memref<100000x128xf32, #tpu.memory_space<hbm>> -> memref<240x128xf32, #tpu.memory_space<hbm>>
    tpu.enqueue_dma source(%arg9 : memref<240x128xf32, #tpu.memory_space<vmem>>) target(%dma_start3A_282 : memref<240x128xf32, #tpu.memory_space<hbm>>) target_semaphore(%arg17 : memref<!tpu.dma_semaphore, #tpu.memory_space<semaphore_mem>>)
    %dma_wait3A_283 = arith.constant 0 : i32
    %dma_wait3A_284 = tpu.memref_slice %arg4[%add3A_236, %dma_wait3A_283] : memref<100000x128xf32, #tpu.memory_space<hbm>> -> memref<240x128xf32, #tpu.memory_space<hbm>>
    %dma_wait3A_285 = arith.constant 0 : i32
    %dma_wait3A_286 = tpu.memref_slice %arg4[%add3A_236, %dma_wait3A_285] : memref<100000x128xf32, #tpu.memory_space<hbm>> -> memref<240x128xf32, #tpu.memory_space<hbm>>
    tpu.wait_dma2 semaphore(%arg16 : memref<!tpu.dma_semaphore, #tpu.memory_space<semaphore_mem>>) src(%arg8 : memref<240x128xf32, #tpu.memory_space<vmem>>) dst(%dma_wait3A_286 : memref<240x128xf32, #tpu.memory_space<hbm>>)
    %dma_start3A_287 = arith.constant 0 : i32
    %dma_start3A_288 = arith.constant 0 : i32
    %dma_start3A_289 = tpu.memref_slice %arg8[%dma_start3A_287, %dma_start3A_288] : memref<240x128xf32, #tpu.memory_space<vmem>> -> memref<120x128xf32, #tpu.memory_space<vmem>>
    %dma_start3A_290 = arith.constant 1920 : i32
    %dma_start3A_291 = tpu.memref_slice %arg5[%dma_start3A_290] : memref<3200xi32, #tpu.memory_space<vmem>> -> memref<120xi32, #tpu.memory_space<vmem>>
    %dma_start3A_292 = arith.constant 0 : i32
    %dma_start3A_293 = arith.constant 0 : i32
    %dma_start3A_294 = tpu.memref_slice %arg7[%dma_start3A_292, %dma_start3A_293] : memref<9x128xf32, #tpu.memory_space<vmem_shared>> -> memref<9x128xf32, #tpu.memory_space<vmem_shared>>
    tpu.enqueue_indirect_dma source(%dma_start3A_294 : memref<9x128xf32, #tpu.memory_space<vmem_shared>>) target(%dma_start3A_289 : memref<120x128xf32, #tpu.memory_space<vmem>>) offsets(%dma_start3A_291 : memref<120xi32, #tpu.memory_space<vmem>>) semaphore(%arg12 : memref<!tpu.dma_semaphore, #tpu.memory_space<semaphore_mem>>)
    %dma_start3A_295 = arith.constant 120 : i32
    %dma_start3A_296 = arith.constant 0 : i32
    %dma_start3A_297 = tpu.memref_slice %arg8[%dma_start3A_295, %dma_start3A_296] : memref<240x128xf32, #tpu.memory_space<vmem>> -> memref<120x128xf32, #tpu.memory_space<vmem>>
    %dma_start3A_298 = arith.constant 2040 : i32
    %dma_start3A_299 = tpu.memref_slice %arg5[%dma_start3A_298] : memref<3200xi32, #tpu.memory_space<vmem>> -> memref<120xi32, #tpu.memory_space<vmem>>
    %dma_start3A_300 = arith.constant 0 : i32
    %dma_start3A_301 = arith.constant 0 : i32
    %dma_start3A_302 = tpu.memref_slice %arg7[%dma_start3A_300, %dma_start3A_301] : memref<9x128xf32, #tpu.memory_space<vmem_shared>> -> memref<9x128xf32, #tpu.memory_space<vmem_shared>>
    tpu.enqueue_indirect_dma source(%dma_start3A_302 : memref<9x128xf32, #tpu.memory_space<vmem_shared>>) target(%dma_start3A_297 : memref<120x128xf32, #tpu.memory_space<vmem>>) offsets(%dma_start3A_299 : memref<120xi32, #tpu.memory_space<vmem>>) semaphore(%arg12 : memref<!tpu.dma_semaphore, #tpu.memory_space<semaphore_mem>>)
    %dma_wait3A_303 = arith.constant 0 : i32
    %dma_wait3A_304 = arith.constant 0 : i32
    %dma_wait3A_305 = tpu.memref_slice %arg10[%dma_wait3A_303, %dma_wait3A_304] : memref<240x128xf32, #tpu.memory_space<vmem>> -> memref<120x128xf32, #tpu.memory_space<vmem>>
    %dma_wait3A_306 = arith.constant 1440 : i32
    %dma_wait3A_307 = tpu.memref_slice %arg5[%dma_wait3A_306] : memref<3200xi32, #tpu.memory_space<vmem>> -> memref<120xi32, #tpu.memory_space<vmem>>
    %dma_wait3A_308 = arith.constant 0 : i32
    %dma_wait3A_309 = arith.constant 0 : i32
    %dma_wait3A_310 = tpu.memref_slice %arg7[%dma_wait3A_308, %dma_wait3A_309] : memref<9x128xf32, #tpu.memory_space<vmem_shared>> -> memref<9x128xf32, #tpu.memory_space<vmem_shared>>
    tpu.wait_indirect_dma semaphore(%arg14 : memref<!tpu.dma_semaphore, #tpu.memory_space<semaphore_mem>>) src(%dma_wait3A_310 : memref<9x128xf32, #tpu.memory_space<vmem_shared>>) dst(%dma_wait3A_305 : memref<120x128xf32, #tpu.memory_space<vmem>>)
    %dma_wait3A_311 = arith.constant 120 : i32
    %dma_wait3A_312 = arith.constant 0 : i32
    %dma_wait3A_313 = tpu.memref_slice %arg10[%dma_wait3A_311, %dma_wait3A_312] : memref<240x128xf32, #tpu.memory_space<vmem>> -> memref<120x128xf32, #tpu.memory_space<vmem>>
    %dma_wait3A_314 = arith.constant 1560 : i32
    %dma_wait3A_315 = tpu.memref_slice %arg5[%dma_wait3A_314] : memref<3200xi32, #tpu.memory_space<vmem>> -> memref<120xi32, #tpu.memory_space<vmem>>
    %dma_wait3A_316 = arith.constant 0 : i32
    %dma_wait3A_317 = arith.constant 0 : i32
    %dma_wait3A_318 = tpu.memref_slice %arg7[%dma_wait3A_316, %dma_wait3A_317] : memref<9x128xf32, #tpu.memory_space<vmem_shared>> -> memref<9x128xf32, #tpu.memory_space<vmem_shared>>
    tpu.wait_indirect_dma semaphore(%arg14 : memref<!tpu.dma_semaphore, #tpu.memory_space<semaphore_mem>>) src(%dma_wait3A_318 : memref<9x128xf32, #tpu.memory_space<vmem_shared>>) dst(%dma_wait3A_313 : memref<120x128xf32, #tpu.memory_space<vmem>>)
    %add3A_319 = arith.constant 1440 : i32
    %add3A_320 = arith.addi %mul3A_2, %add3A_319 : i32
    %dma_start3A_321 = arith.constant 0 : i32
    %dma_start3A_322 = tpu.memref_slice %arg4[%add3A_320, %dma_start3A_321] : memref<100000x128xf32, #tpu.memory_space<hbm>> -> memref<240x128xf32, #tpu.memory_space<hbm>>
    %dma_start3A_323 = arith.constant 0 : i32
    %dma_start3A_324 = tpu.memref_slice %arg4[%add3A_320, %dma_start3A_323] : memref<100000x128xf32, #tpu.memory_space<hbm>> -> memref<240x128xf32, #tpu.memory_space<hbm>>
    tpu.enqueue_dma source(%arg10 : memref<240x128xf32, #tpu.memory_space<vmem>>) target(%dma_start3A_324 : memref<240x128xf32, #tpu.memory_space<hbm>>) target_semaphore(%arg18 : memref<!tpu.dma_semaphore, #tpu.memory_space<semaphore_mem>>)
    %dma_wait3A_325 = arith.constant 0 : i32
    %dma_wait3A_326 = tpu.memref_slice %arg4[%add3A_278, %dma_wait3A_325] : memref<100000x128xf32, #tpu.memory_space<hbm>> -> memref<240x128xf32, #tpu.memory_space<hbm>>
    %dma_wait3A_327 = arith.constant 0 : i32
    %dma_wait3A_328 = tpu.memref_slice %arg4[%add3A_278, %dma_wait3A_327] : memref<100000x128xf32, #tpu.memory_space<hbm>> -> memref<240x128xf32, #tpu.memory_space<hbm>>
    tpu.wait_dma2 semaphore(%arg17 : memref<!tpu.dma_semaphore, #tpu.memory_space<semaphore_mem>>) src(%arg9 : memref<240x128xf32, #tpu.memory_space<vmem>>) dst(%dma_wait3A_328 : memref<240x128xf32, #tpu.memory_space<hbm>>)
    %dma_start3A_329 = arith.constant 0 : i32
    %dma_start3A_330 = arith.constant 0 : i32
    %dma_start3A_331 = tpu.memref_slice %arg9[%dma_start3A_329, %dma_start3A_330] : memref<240x128xf32, #tpu.memory_space<vmem>> -> memref<120x128xf32, #tpu.memory_space<vmem>>
    %dma_start3A_332 = arith.constant 2160 : i32
    %dma_start3A_333 = tpu.memref_slice %arg5[%dma_start3A_332] : memref<3200xi32, #tpu.memory_space<vmem>> -> memref<120xi32, #tpu.memory_space<vmem>>
    %dma_start3A_334 = arith.constant 0 : i32
    %dma_start3A_335 = arith.constant 0 : i32
    %dma_start3A_336 = tpu.memref_slice %arg7[%dma_start3A_334, %dma_start3A_335] : memref<9x128xf32, #tpu.memory_space<vmem_shared>> -> memref<9x128xf32, #tpu.memory_space<vmem_shared>>
    tpu.enqueue_indirect_dma source(%dma_start3A_336 : memref<9x128xf32, #tpu.memory_space<vmem_shared>>) target(%dma_start3A_331 : memref<120x128xf32, #tpu.memory_space<vmem>>) offsets(%dma_start3A_333 : memref<120xi32, #tpu.memory_space<vmem>>) semaphore(%arg13 : memref<!tpu.dma_semaphore, #tpu.memory_space<semaphore_mem>>)
    %dma_start3A_337 = arith.constant 120 : i32
    %dma_start3A_338 = arith.constant 0 : i32
    %dma_start3A_339 = tpu.memref_slice %arg9[%dma_start3A_337, %dma_start3A_338] : memref<240x128xf32, #tpu.memory_space<vmem>> -> memref<120x128xf32, #tpu.memory_space<vmem>>
    %dma_start3A_340 = arith.constant 2280 : i32
    %dma_start3A_341 = tpu.memref_slice %arg5[%dma_start3A_340] : memref<3200xi32, #tpu.memory_space<vmem>> -> memref<120xi32, #tpu.memory_space<vmem>>
    %dma_start3A_342 = arith.constant 0 : i32
    %dma_start3A_343 = arith.constant 0 : i32
    %dma_start3A_344 = tpu.memref_slice %arg7[%dma_start3A_342, %dma_start3A_343] : memref<9x128xf32, #tpu.memory_space<vmem_shared>> -> memref<9x128xf32, #tpu.memory_space<vmem_shared>>
    tpu.enqueue_indirect_dma source(%dma_start3A_344 : memref<9x128xf32, #tpu.memory_space<vmem_shared>>) target(%dma_start3A_339 : memref<120x128xf32, #tpu.memory_space<vmem>>) offsets(%dma_start3A_341 : memref<120xi32, #tpu.memory_space<vmem>>) semaphore(%arg13 : memref<!tpu.dma_semaphore, #tpu.memory_space<semaphore_mem>>)
    %dma_wait3A_345 = arith.constant 0 : i32
    %dma_wait3A_346 = arith.constant 0 : i32
    %dma_wait3A_347 = tpu.memref_slice %arg11[%dma_wait3A_345, %dma_wait3A_346] : memref<240x128xf32, #tpu.memory_space<vmem>> -> memref<120x128xf32, #tpu.memory_space<vmem>>
    %dma_wait3A_348 = arith.constant 1680 : i32
    %dma_wait3A_349 = tpu.memref_slice %arg5[%dma_wait3A_348] : memref<3200xi32, #tpu.memory_space<vmem>> -> memref<120xi32, #tpu.memory_space<vmem>>
    %dma_wait3A_350 = arith.constant 0 : i32
    %dma_wait3A_351 = arith.constant 0 : i32
    %dma_wait3A_352 = tpu.memref_slice %arg7[%dma_wait3A_350, %dma_wait3A_351] : memref<9x128xf32, #tpu.memory_space<vmem_shared>> -> memref<9x128xf32, #tpu.memory_space<vmem_shared>>
    tpu.wait_indirect_dma semaphore(%arg15 : memref<!tpu.dma_semaphore, #tpu.memory_space<semaphore_mem>>) src(%dma_wait3A_352 : memref<9x128xf32, #tpu.memory_space<vmem_shared>>) dst(%dma_wait3A_347 : memref<120x128xf32, #tpu.memory_space<vmem>>)
    %dma_wait3A_353 = arith.constant 120 : i32
    %dma_wait3A_354 = arith.constant 0 : i32
    %dma_wait3A_355 = tpu.memref_slice %arg11[%dma_wait3A_353, %dma_wait3A_354] : memref<240x128xf32, #tpu.memory_space<vmem>> -> memref<120x128xf32, #tpu.memory_space<vmem>>
    %dma_wait3A_356 = arith.constant 1800 : i32
    %dma_wait3A_357 = tpu.memref_slice %arg5[%dma_wait3A_356] : memref<3200xi32, #tpu.memory_space<vmem>> -> memref<120xi32, #tpu.memory_space<vmem>>
    %dma_wait3A_358 = arith.constant 0 : i32
    %dma_wait3A_359 = arith.constant 0 : i32
    %dma_wait3A_360 = tpu.memref_slice %arg7[%dma_wait3A_358, %dma_wait3A_359] : memref<9x128xf32, #tpu.memory_space<vmem_shared>> -> memref<9x128xf32, #tpu.memory_space<vmem_shared>>
    tpu.wait_indirect_dma semaphore(%arg15 : memref<!tpu.dma_semaphore, #tpu.memory_space<semaphore_mem>>) src(%dma_wait3A_360 : memref<9x128xf32, #tpu.memory_space<vmem_shared>>) dst(%dma_wait3A_355 : memref<120x128xf32, #tpu.memory_space<vmem>>)
    %add3A_361 = arith.constant 1680 : i32
    %add3A_362 = arith.addi %mul3A_2, %add3A_361 : i32
    %dma_start3A_363 = arith.constant 0 : i32
    %dma_start3A_364 = tpu.memref_slice %arg4[%add3A_362, %dma_start3A_363] : memref<100000x128xf32, #tpu.memory_space<hbm>> -> memref<240x128xf32, #tpu.memory_space<hbm>>
    %dma_start3A_365 = arith.constant 0 : i32
    %dma_start3A_366 = tpu.memref_slice %arg4[%add3A_362, %dma_start3A_365] : memref<100000x128xf32, #tpu.memory_space<hbm>> -> memref<240x128xf32, #tpu.memory_space<hbm>>
    tpu.enqueue_dma source(%arg11 : memref<240x128xf32, #tpu.memory_space<vmem>>) target(%dma_start3A_366 : memref<240x128xf32, #tpu.memory_space<hbm>>) target_semaphore(%arg19 : memref<!tpu.dma_semaphore, #tpu.memory_space<semaphore_mem>>)
    %dma_wait3A_367 = arith.constant 0 : i32
    %dma_wait3A_368 = tpu.memref_slice %arg4[%add3A_320, %dma_wait3A_367] : memref<100000x128xf32, #tpu.memory_space<hbm>> -> memref<240x128xf32, #tpu.memory_space<hbm>>
    %dma_wait3A_369 = arith.constant 0 : i32
    %dma_wait3A_370 = tpu.memref_slice %arg4[%add3A_320, %dma_wait3A_369] : memref<100000x128xf32, #tpu.memory_space<hbm>> -> memref<240x128xf32, #tpu.memory_space<hbm>>
    tpu.wait_dma2 semaphore(%arg18 : memref<!tpu.dma_semaphore, #tpu.memory_space<semaphore_mem>>) src(%arg10 : memref<240x128xf32, #tpu.memory_space<vmem>>) dst(%dma_wait3A_370 : memref<240x128xf32, #tpu.memory_space<hbm>>)
    %dma_start3A_371 = arith.constant 0 : i32
    %dma_start3A_372 = arith.constant 0 : i32
    %dma_start3A_373 = tpu.memref_slice %arg10[%dma_start3A_371, %dma_start3A_372] : memref<240x128xf32, #tpu.memory_space<vmem>> -> memref<120x128xf32, #tpu.memory_space<vmem>>
    %dma_start3A_374 = arith.constant 2400 : i32
    %dma_start3A_375 = tpu.memref_slice %arg5[%dma_start3A_374] : memref<3200xi32, #tpu.memory_space<vmem>> -> memref<120xi32, #tpu.memory_space<vmem>>
    %dma_start3A_376 = arith.constant 0 : i32
    %dma_start3A_377 = arith.constant 0 : i32
    %dma_start3A_378 = tpu.memref_slice %arg7[%dma_start3A_376, %dma_start3A_377] : memref<9x128xf32, #tpu.memory_space<vmem_shared>> -> memref<9x128xf32, #tpu.memory_space<vmem_shared>>
    tpu.enqueue_indirect_dma source(%dma_start3A_378 : memref<9x128xf32, #tpu.memory_space<vmem_shared>>) target(%dma_start3A_373 : memref<120x128xf32, #tpu.memory_space<vmem>>) offsets(%dma_start3A_375 : memref<120xi32, #tpu.memory_space<vmem>>) semaphore(%arg14 : memref<!tpu.dma_semaphore, #tpu.memory_space<semaphore_mem>>)
    %dma_start3A_379 = arith.constant 120 : i32
    %dma_start3A_380 = arith.constant 0 : i32
    %dma_start3A_381 = tpu.memref_slice %arg10[%dma_start3A_379, %dma_start3A_380] : memref<240x128xf32, #tpu.memory_space<vmem>> -> memref<120x128xf32, #tpu.memory_space<vmem>>
    %dma_start3A_382 = arith.constant 2520 : i32
    %dma_start3A_383 = tpu.memref_slice %arg5[%dma_start3A_382] : memref<3200xi32, #tpu.memory_space<vmem>> -> memref<120xi32, #tpu.memory_space<vmem>>
    %dma_start3A_384 = arith.constant 0 : i32
    %dma_start3A_385 = arith.constant 0 : i32
    %dma_start3A_386 = tpu.memref_slice %arg7[%dma_start3A_384, %dma_start3A_385] : memref<9x128xf32, #tpu.memory_space<vmem_shared>> -> memref<9x128xf32, #tpu.memory_space<vmem_shared>>
    tpu.enqueue_indirect_dma source(%dma_start3A_386 : memref<9x128xf32, #tpu.memory_space<vmem_shared>>) target(%dma_start3A_381 : memref<120x128xf32, #tpu.memory_space<vmem>>) offsets(%dma_start3A_383 : memref<120xi32, #tpu.memory_space<vmem>>) semaphore(%arg14 : memref<!tpu.dma_semaphore, #tpu.memory_space<semaphore_mem>>)
    %dma_wait3A_387 = arith.constant 0 : i32
    %dma_wait3A_388 = arith.constant 0 : i32
    %dma_wait3A_389 = tpu.memref_slice %arg8[%dma_wait3A_387, %dma_wait3A_388] : memref<240x128xf32, #tpu.memory_space<vmem>> -> memref<120x128xf32, #tpu.memory_space<vmem>>
    %dma_wait3A_390 = arith.constant 1920 : i32
    %dma_wait3A_391 = tpu.memref_slice %arg5[%dma_wait3A_390] : memref<3200xi32, #tpu.memory_space<vmem>> -> memref<120xi32, #tpu.memory_space<vmem>>
    %dma_wait3A_392 = arith.constant 0 : i32
    %dma_wait3A_393 = arith.constant 0 : i32
    %dma_wait3A_394 = tpu.memref_slice %arg7[%dma_wait3A_392, %dma_wait3A_393] : memref<9x128xf32, #tpu.memory_space<vmem_shared>> -> memref<9x128xf32, #tpu.memory_space<vmem_shared>>
    tpu.wait_indirect_dma semaphore(%arg12 : memref<!tpu.dma_semaphore, #tpu.memory_space<semaphore_mem>>) src(%dma_wait3A_394 : memref<9x128xf32, #tpu.memory_space<vmem_shared>>) dst(%dma_wait3A_389 : memref<120x128xf32, #tpu.memory_space<vmem>>)
    %dma_wait3A_395 = arith.constant 120 : i32
    %dma_wait3A_396 = arith.constant 0 : i32
    %dma_wait3A_397 = tpu.memref_slice %arg8[%dma_wait3A_395, %dma_wait3A_396] : memref<240x128xf32, #tpu.memory_space<vmem>> -> memref<120x128xf32, #tpu.memory_space<vmem>>
    %dma_wait3A_398 = arith.constant 2040 : i32
    %dma_wait3A_399 = tpu.memref_slice %arg5[%dma_wait3A_398] : memref<3200xi32, #tpu.memory_space<vmem>> -> memref<120xi32, #tpu.memory_space<vmem>>
    %dma_wait3A_400 = arith.constant 0 : i32
    %dma_wait3A_401 = arith.constant 0 : i32
    %dma_wait3A_402 = tpu.memref_slice %arg7[%dma_wait3A_400, %dma_wait3A_401] : memref<9x128xf32, #tpu.memory_space<vmem_shared>> -> memref<9x128xf32, #tpu.memory_space<vmem_shared>>
    tpu.wait_indirect_dma semaphore(%arg12 : memref<!tpu.dma_semaphore, #tpu.memory_space<semaphore_mem>>) src(%dma_wait3A_402 : memref<9x128xf32, #tpu.memory_space<vmem_shared>>) dst(%dma_wait3A_397 : memref<120x128xf32, #tpu.memory_space<vmem>>)
    %add3A_403 = arith.constant 1920 : i32
    %add3A_404 = arith.addi %mul3A_2, %add3A_403 : i32
    %dma_start3A_405 = arith.constant 0 : i32
    %dma_start3A_406 = tpu.memref_slice %arg4[%add3A_404, %dma_start3A_405] : memref<100000x128xf32, #tpu.memory_space<hbm>> -> memref<240x128xf32, #tpu.memory_space<hbm>>
    %dma_start3A_407 = arith.constant 0 : i32
    %dma_start3A_408 = tpu.memref_slice %arg4[%add3A_404, %dma_start3A_407] : memref<100000x128xf32, #tpu.memory_space<hbm>> -> memref<240x128xf32, #tpu.memory_space<hbm>>
    tpu.enqueue_dma source(%arg8 : memref<240x128xf32, #tpu.memory_space<vmem>>) target(%dma_start3A_408 : memref<240x128xf32, #tpu.memory_space<hbm>>) target_semaphore(%arg16 : memref<!tpu.dma_semaphore, #tpu.memory_space<semaphore_mem>>)
    %dma_wait3A_409 = arith.constant 0 : i32
    %dma_wait3A_410 = tpu.memref_slice %arg4[%add3A_362, %dma_wait3A_409] : memref<100000x128xf32, #tpu.memory_space<hbm>> -> memref<240x128xf32, #tpu.memory_space<hbm>>
    %dma_wait3A_411 = arith.constant 0 : i32
    %dma_wait3A_412 = tpu.memref_slice %arg4[%add3A_362, %dma_wait3A_411] : memref<100000x128xf32, #tpu.memory_space<hbm>> -> memref<240x128xf32, #tpu.memory_space<hbm>>
    tpu.wait_dma2 semaphore(%arg19 : memref<!tpu.dma_semaphore, #tpu.memory_space<semaphore_mem>>) src(%arg11 : memref<240x128xf32, #tpu.memory_space<vmem>>) dst(%dma_wait3A_412 : memref<240x128xf32, #tpu.memory_space<hbm>>)
    %dma_start3A_413 = arith.constant 0 : i32
    %dma_start3A_414 = arith.constant 0 : i32
    %dma_start3A_415 = tpu.memref_slice %arg11[%dma_start3A_413, %dma_start3A_414] : memref<240x128xf32, #tpu.memory_space<vmem>> -> memref<120x128xf32, #tpu.memory_space<vmem>>
    %dma_start3A_416 = arith.constant 2640 : i32
    %dma_start3A_417 = tpu.memref_slice %arg5[%dma_start3A_416] : memref<3200xi32, #tpu.memory_space<vmem>> -> memref<120xi32, #tpu.memory_space<vmem>>
    %dma_start3A_418 = arith.constant 0 : i32
    %dma_start3A_419 = arith.constant 0 : i32
    %dma_start3A_420 = tpu.memref_slice %arg7[%dma_start3A_418, %dma_start3A_419] : memref<9x128xf32, #tpu.memory_space<vmem_shared>> -> memref<9x128xf32, #tpu.memory_space<vmem_shared>>
    tpu.enqueue_indirect_dma source(%dma_start3A_420 : memref<9x128xf32, #tpu.memory_space<vmem_shared>>) target(%dma_start3A_415 : memref<120x128xf32, #tpu.memory_space<vmem>>) offsets(%dma_start3A_417 : memref<120xi32, #tpu.memory_space<vmem>>) semaphore(%arg15 : memref<!tpu.dma_semaphore, #tpu.memory_space<semaphore_mem>>)
    %dma_start3A_421 = arith.constant 120 : i32
    %dma_start3A_422 = arith.constant 0 : i32
    %dma_start3A_423 = tpu.memref_slice %arg11[%dma_start3A_421, %dma_start3A_422] : memref<240x128xf32, #tpu.memory_space<vmem>> -> memref<120x128xf32, #tpu.memory_space<vmem>>
    %dma_start3A_424 = arith.constant 2760 : i32
    %dma_start3A_425 = tpu.memref_slice %arg5[%dma_start3A_424] : memref<3200xi32, #tpu.memory_space<vmem>> -> memref<120xi32, #tpu.memory_space<vmem>>
    %dma_start3A_426 = arith.constant 0 : i32
    %dma_start3A_427 = arith.constant 0 : i32
    %dma_start3A_428 = tpu.memref_slice %arg7[%dma_start3A_426, %dma_start3A_427] : memref<9x128xf32, #tpu.memory_space<vmem_shared>> -> memref<9x128xf32, #tpu.memory_space<vmem_shared>>
    tpu.enqueue_indirect_dma source(%dma_start3A_428 : memref<9x128xf32, #tpu.memory_space<vmem_shared>>) target(%dma_start3A_423 : memref<120x128xf32, #tpu.memory_space<vmem>>) offsets(%dma_start3A_425 : memref<120xi32, #tpu.memory_space<vmem>>) semaphore(%arg15 : memref<!tpu.dma_semaphore, #tpu.memory_space<semaphore_mem>>)
    %dma_wait3A_429 = arith.constant 0 : i32
    %dma_wait3A_430 = arith.constant 0 : i32
    %dma_wait3A_431 = tpu.memref_slice %arg9[%dma_wait3A_429, %dma_wait3A_430] : memref<240x128xf32, #tpu.memory_space<vmem>> -> memref<120x128xf32, #tpu.memory_space<vmem>>
    %dma_wait3A_432 = arith.constant 2160 : i32
    %dma_wait3A_433 = tpu.memref_slice %arg5[%dma_wait3A_432] : memref<3200xi32, #tpu.memory_space<vmem>> -> memref<120xi32, #tpu.memory_space<vmem>>
    %dma_wait3A_434 = arith.constant 0 : i32
    %dma_wait3A_435 = arith.constant 0 : i32
    %dma_wait3A_436 = tpu.memref_slice %arg7[%dma_wait3A_434, %dma_wait3A_435] : memref<9x128xf32, #tpu.memory_space<vmem_shared>> -> memref<9x128xf32, #tpu.memory_space<vmem_shared>>
    tpu.wait_indirect_dma semaphore(%arg13 : memref<!tpu.dma_semaphore, #tpu.memory_space<semaphore_mem>>) src(%dma_wait3A_436 : memref<9x128xf32, #tpu.memory_space<vmem_shared>>) dst(%dma_wait3A_431 : memref<120x128xf32, #tpu.memory_space<vmem>>)
    %dma_wait3A_437 = arith.constant 120 : i32
    %dma_wait3A_438 = arith.constant 0 : i32
    %dma_wait3A_439 = tpu.memref_slice %arg9[%dma_wait3A_437, %dma_wait3A_438] : memref<240x128xf32, #tpu.memory_space<vmem>> -> memref<120x128xf32, #tpu.memory_space<vmem>>
    %dma_wait3A_440 = arith.constant 2280 : i32
    %dma_wait3A_441 = tpu.memref_slice %arg5[%dma_wait3A_440] : memref<3200xi32, #tpu.memory_space<vmem>> -> memref<120xi32, #tpu.memory_space<vmem>>
    %dma_wait3A_442 = arith.constant 0 : i32
    %dma_wait3A_443 = arith.constant 0 : i32
    %dma_wait3A_444 = tpu.memref_slice %arg7[%dma_wait3A_442, %dma_wait3A_443] : memref<9x128xf32, #tpu.memory_space<vmem_shared>> -> memref<9x128xf32, #tpu.memory_space<vmem_shared>>
    tpu.wait_indirect_dma semaphore(%arg13 : memref<!tpu.dma_semaphore, #tpu.memory_space<semaphore_mem>>) src(%dma_wait3A_444 : memref<9x128xf32, #tpu.memory_space<vmem_shared>>) dst(%dma_wait3A_439 : memref<120x128xf32, #tpu.memory_space<vmem>>)
    %add3A_445 = arith.constant 2160 : i32
    %add3A_446 = arith.addi %mul3A_2, %add3A_445 : i32
    %dma_start3A_447 = arith.constant 0 : i32
    %dma_start3A_448 = tpu.memref_slice %arg4[%add3A_446, %dma_start3A_447] : memref<100000x128xf32, #tpu.memory_space<hbm>> -> memref<240x128xf32, #tpu.memory_space<hbm>>
    %dma_start3A_449 = arith.constant 0 : i32
    %dma_start3A_450 = tpu.memref_slice %arg4[%add3A_446, %dma_start3A_449] : memref<100000x128xf32, #tpu.memory_space<hbm>> -> memref<240x128xf32, #tpu.memory_space<hbm>>
    tpu.enqueue_dma source(%arg9 : memref<240x128xf32, #tpu.memory_space<vmem>>) target(%dma_start3A_450 : memref<240x128xf32, #tpu.memory_space<hbm>>) target_semaphore(%arg17 : memref<!tpu.dma_semaphore, #tpu.memory_space<semaphore_mem>>)
    %dma_wait3A_451 = arith.constant 0 : i32
    %dma_wait3A_452 = tpu.memref_slice %arg4[%add3A_404, %dma_wait3A_451] : memref<100000x128xf32, #tpu.memory_space<hbm>> -> memref<240x128xf32, #tpu.memory_space<hbm>>
    %dma_wait3A_453 = arith.constant 0 : i32
    %dma_wait3A_454 = tpu.memref_slice %arg4[%add3A_404, %dma_wait3A_453] : memref<100000x128xf32, #tpu.memory_space<hbm>> -> memref<240x128xf32, #tpu.memory_space<hbm>>
    tpu.wait_dma2 semaphore(%arg16 : memref<!tpu.dma_semaphore, #tpu.memory_space<semaphore_mem>>) src(%arg8 : memref<240x128xf32, #tpu.memory_space<vmem>>) dst(%dma_wait3A_454 : memref<240x128xf32, #tpu.memory_space<hbm>>)
    %dma_start3A_455 = arith.constant 0 : i32
    %dma_start3A_456 = arith.constant 0 : i32
    %dma_start3A_457 = tpu.memref_slice %arg8[%dma_start3A_455, %dma_start3A_456] : memref<240x128xf32, #tpu.memory_space<vmem>> -> memref<120x128xf32, #tpu.memory_space<vmem>>
    %dma_start3A_458 = arith.constant 2880 : i32
    %dma_start3A_459 = tpu.memref_slice %arg5[%dma_start3A_458] : memref<3200xi32, #tpu.memory_space<vmem>> -> memref<120xi32, #tpu.memory_space<vmem>>
    %dma_start3A_460 = arith.constant 0 : i32
    %dma_start3A_461 = arith.constant 0 : i32
    %dma_start3A_462 = tpu.memref_slice %arg7[%dma_start3A_460, %dma_start3A_461] : memref<9x128xf32, #tpu.memory_space<vmem_shared>> -> memref<9x128xf32, #tpu.memory_space<vmem_shared>>
    tpu.enqueue_indirect_dma source(%dma_start3A_462 : memref<9x128xf32, #tpu.memory_space<vmem_shared>>) target(%dma_start3A_457 : memref<120x128xf32, #tpu.memory_space<vmem>>) offsets(%dma_start3A_459 : memref<120xi32, #tpu.memory_space<vmem>>) semaphore(%arg12 : memref<!tpu.dma_semaphore, #tpu.memory_space<semaphore_mem>>)
    %dma_start3A_463 = arith.constant 120 : i32
    %dma_start3A_464 = arith.constant 0 : i32
    %dma_start3A_465 = tpu.memref_slice %arg8[%dma_start3A_463, %dma_start3A_464] : memref<240x128xf32, #tpu.memory_space<vmem>> -> memref<120x128xf32, #tpu.memory_space<vmem>>
    %dma_start3A_466 = arith.constant 3000 : i32
    %dma_start3A_467 = tpu.memref_slice %arg5[%dma_start3A_466] : memref<3200xi32, #tpu.memory_space<vmem>> -> memref<120xi32, #tpu.memory_space<vmem>>
    %dma_start3A_468 = arith.constant 0 : i32
    %dma_start3A_469 = arith.constant 0 : i32
    %dma_start3A_470 = tpu.memref_slice %arg7[%dma_start3A_468, %dma_start3A_469] : memref<9x128xf32, #tpu.memory_space<vmem_shared>> -> memref<9x128xf32, #tpu.memory_space<vmem_shared>>
    tpu.enqueue_indirect_dma source(%dma_start3A_470 : memref<9x128xf32, #tpu.memory_space<vmem_shared>>) target(%dma_start3A_465 : memref<120x128xf32, #tpu.memory_space<vmem>>) offsets(%dma_start3A_467 : memref<120xi32, #tpu.memory_space<vmem>>) semaphore(%arg12 : memref<!tpu.dma_semaphore, #tpu.memory_space<semaphore_mem>>)
    %dma_wait3A_471 = arith.constant 0 : i32
    %dma_wait3A_472 = arith.constant 0 : i32
    %dma_wait3A_473 = tpu.memref_slice %arg10[%dma_wait3A_471, %dma_wait3A_472] : memref<240x128xf32, #tpu.memory_space<vmem>> -> memref<120x128xf32, #tpu.memory_space<vmem>>
    %dma_wait3A_474 = arith.constant 2400 : i32
    %dma_wait3A_475 = tpu.memref_slice %arg5[%dma_wait3A_474] : memref<3200xi32, #tpu.memory_space<vmem>> -> memref<120xi32, #tpu.memory_space<vmem>>
    %dma_wait3A_476 = arith.constant 0 : i32
    %dma_wait3A_477 = arith.constant 0 : i32
    %dma_wait3A_478 = tpu.memref_slice %arg7[%dma_wait3A_476, %dma_wait3A_477] : memref<9x128xf32, #tpu.memory_space<vmem_shared>> -> memref<9x128xf32, #tpu.memory_space<vmem_shared>>
    tpu.wait_indirect_dma semaphore(%arg14 : memref<!tpu.dma_semaphore, #tpu.memory_space<semaphore_mem>>) src(%dma_wait3A_478 : memref<9x128xf32, #tpu.memory_space<vmem_shared>>) dst(%dma_wait3A_473 : memref<120x128xf32, #tpu.memory_space<vmem>>)
    %dma_wait3A_479 = arith.constant 120 : i32
    %dma_wait3A_480 = arith.constant 0 : i32
    %dma_wait3A_481 = tpu.memref_slice %arg10[%dma_wait3A_479, %dma_wait3A_480] : memref<240x128xf32, #tpu.memory_space<vmem>> -> memref<120x128xf32, #tpu.memory_space<vmem>>
    %dma_wait3A_482 = arith.constant 2520 : i32
    %dma_wait3A_483 = tpu.memref_slice %arg5[%dma_wait3A_482] : memref<3200xi32, #tpu.memory_space<vmem>> -> memref<120xi32, #tpu.memory_space<vmem>>
    %dma_wait3A_484 = arith.constant 0 : i32
    %dma_wait3A_485 = arith.constant 0 : i32
    %dma_wait3A_486 = tpu.memref_slice %arg7[%dma_wait3A_484, %dma_wait3A_485] : memref<9x128xf32, #tpu.memory_space<vmem_shared>> -> memref<9x128xf32, #tpu.memory_space<vmem_shared>>
    tpu.wait_indirect_dma semaphore(%arg14 : memref<!tpu.dma_semaphore, #tpu.memory_space<semaphore_mem>>) src(%dma_wait3A_486 : memref<9x128xf32, #tpu.memory_space<vmem_shared>>) dst(%dma_wait3A_481 : memref<120x128xf32, #tpu.memory_space<vmem>>)
    %add3A_487 = arith.constant 2400 : i32
    %add3A_488 = arith.addi %mul3A_2, %add3A_487 : i32
    %dma_start3A_489 = arith.constant 0 : i32
    %dma_start3A_490 = tpu.memref_slice %arg4[%add3A_488, %dma_start3A_489] : memref<100000x128xf32, #tpu.memory_space<hbm>> -> memref<240x128xf32, #tpu.memory_space<hbm>>
    %dma_start3A_491 = arith.constant 0 : i32
    %dma_start3A_492 = tpu.memref_slice %arg4[%add3A_488, %dma_start3A_491] : memref<100000x128xf32, #tpu.memory_space<hbm>> -> memref<240x128xf32, #tpu.memory_space<hbm>>
    tpu.enqueue_dma source(%arg10 : memref<240x128xf32, #tpu.memory_space<vmem>>) target(%dma_start3A_492 : memref<240x128xf32, #tpu.memory_space<hbm>>) target_semaphore(%arg18 : memref<!tpu.dma_semaphore, #tpu.memory_space<semaphore_mem>>)
    %dma_wait3A_493 = arith.constant 0 : i32
    %dma_wait3A_494 = arith.constant 0 : i32
    %dma_wait3A_495 = tpu.memref_slice %arg11[%dma_wait3A_493, %dma_wait3A_494] : memref<240x128xf32, #tpu.memory_space<vmem>> -> memref<120x128xf32, #tpu.memory_space<vmem>>
    %dma_wait3A_496 = arith.constant 2640 : i32
    %dma_wait3A_497 = tpu.memref_slice %arg5[%dma_wait3A_496] : memref<3200xi32, #tpu.memory_space<vmem>> -> memref<120xi32, #tpu.memory_space<vmem>>
    %dma_wait3A_498 = arith.constant 0 : i32
    %dma_wait3A_499 = arith.constant 0 : i32
    %dma_wait3A_500 = tpu.memref_slice %arg7[%dma_wait3A_498, %dma_wait3A_499] : memref<9x128xf32, #tpu.memory_space<vmem_shared>> -> memref<9x128xf32, #tpu.memory_space<vmem_shared>>
    tpu.wait_indirect_dma semaphore(%arg15 : memref<!tpu.dma_semaphore, #tpu.memory_space<semaphore_mem>>) src(%dma_wait3A_500 : memref<9x128xf32, #tpu.memory_space<vmem_shared>>) dst(%dma_wait3A_495 : memref<120x128xf32, #tpu.memory_space<vmem>>)
    %dma_wait3A_501 = arith.constant 120 : i32
    %dma_wait3A_502 = arith.constant 0 : i32
    %dma_wait3A_503 = tpu.memref_slice %arg11[%dma_wait3A_501, %dma_wait3A_502] : memref<240x128xf32, #tpu.memory_space<vmem>> -> memref<120x128xf32, #tpu.memory_space<vmem>>
    %dma_wait3A_504 = arith.constant 2760 : i32
    %dma_wait3A_505 = tpu.memref_slice %arg5[%dma_wait3A_504] : memref<3200xi32, #tpu.memory_space<vmem>> -> memref<120xi32, #tpu.memory_space<vmem>>
    %dma_wait3A_506 = arith.constant 0 : i32
    %dma_wait3A_507 = arith.constant 0 : i32
    %dma_wait3A_508 = tpu.memref_slice %arg7[%dma_wait3A_506, %dma_wait3A_507] : memref<9x128xf32, #tpu.memory_space<vmem_shared>> -> memref<9x128xf32, #tpu.memory_space<vmem_shared>>
    tpu.wait_indirect_dma semaphore(%arg15 : memref<!tpu.dma_semaphore, #tpu.memory_space<semaphore_mem>>) src(%dma_wait3A_508 : memref<9x128xf32, #tpu.memory_space<vmem_shared>>) dst(%dma_wait3A_503 : memref<120x128xf32, #tpu.memory_space<vmem>>)
    %add3A_509 = arith.constant 2640 : i32
    %add3A_510 = arith.addi %mul3A_2, %add3A_509 : i32
    %dma_start3A_511 = arith.constant 0 : i32
    %dma_start3A_512 = tpu.memref_slice %arg4[%add3A_510, %dma_start3A_511] : memref<100000x128xf32, #tpu.memory_space<hbm>> -> memref<240x128xf32, #tpu.memory_space<hbm>>
    %dma_start3A_513 = arith.constant 0 : i32
    %dma_start3A_514 = tpu.memref_slice %arg4[%add3A_510, %dma_start3A_513] : memref<100000x128xf32, #tpu.memory_space<hbm>> -> memref<240x128xf32, #tpu.memory_space<hbm>>
    tpu.enqueue_dma source(%arg11 : memref<240x128xf32, #tpu.memory_space<vmem>>) target(%dma_start3A_514 : memref<240x128xf32, #tpu.memory_space<hbm>>) target_semaphore(%arg19 : memref<!tpu.dma_semaphore, #tpu.memory_space<semaphore_mem>>)
    %dma_wait3A_515 = arith.constant 0 : i32
    %dma_wait3A_516 = arith.constant 0 : i32
    %dma_wait3A_517 = tpu.memref_slice %arg8[%dma_wait3A_515, %dma_wait3A_516] : memref<240x128xf32, #tpu.memory_space<vmem>> -> memref<120x128xf32, #tpu.memory_space<vmem>>
    %dma_wait3A_518 = arith.constant 2880 : i32
    %dma_wait3A_519 = tpu.memref_slice %arg5[%dma_wait3A_518] : memref<3200xi32, #tpu.memory_space<vmem>> -> memref<120xi32, #tpu.memory_space<vmem>>
    %dma_wait3A_520 = arith.constant 0 : i32
    %dma_wait3A_521 = arith.constant 0 : i32
    %dma_wait3A_522 = tpu.memref_slice %arg7[%dma_wait3A_520, %dma_wait3A_521] : memref<9x128xf32, #tpu.memory_space<vmem_shared>> -> memref<9x128xf32, #tpu.memory_space<vmem_shared>>
    tpu.wait_indirect_dma semaphore(%arg12 : memref<!tpu.dma_semaphore, #tpu.memory_space<semaphore_mem>>) src(%dma_wait3A_522 : memref<9x128xf32, #tpu.memory_space<vmem_shared>>) dst(%dma_wait3A_517 : memref<120x128xf32, #tpu.memory_space<vmem>>)
    %dma_wait3A_523 = arith.constant 120 : i32
    %dma_wait3A_524 = arith.constant 0 : i32
    %dma_wait3A_525 = tpu.memref_slice %arg8[%dma_wait3A_523, %dma_wait3A_524] : memref<240x128xf32, #tpu.memory_space<vmem>> -> memref<120x128xf32, #tpu.memory_space<vmem>>
    %dma_wait3A_526 = arith.constant 3000 : i32
    %dma_wait3A_527 = tpu.memref_slice %arg5[%dma_wait3A_526] : memref<3200xi32, #tpu.memory_space<vmem>> -> memref<120xi32, #tpu.memory_space<vmem>>
    %dma_wait3A_528 = arith.constant 0 : i32
    %dma_wait3A_529 = arith.constant 0 : i32
    %dma_wait3A_530 = tpu.memref_slice %arg7[%dma_wait3A_528, %dma_wait3A_529] : memref<9x128xf32, #tpu.memory_space<vmem_shared>> -> memref<9x128xf32, #tpu.memory_space<vmem_shared>>
    tpu.wait_indirect_dma semaphore(%arg12 : memref<!tpu.dma_semaphore, #tpu.memory_space<semaphore_mem>>) src(%dma_wait3A_530 : memref<9x128xf32, #tpu.memory_space<vmem_shared>>) dst(%dma_wait3A_525 : memref<120x128xf32, #tpu.memory_space<vmem>>)
    %add3A_531 = arith.constant 2880 : i32
    %add3A_532 = arith.addi %mul3A_2, %add3A_531 : i32
    %dma_start3A_533 = arith.constant 0 : i32
    %dma_start3A_534 = tpu.memref_slice %arg4[%add3A_532, %dma_start3A_533] : memref<100000x128xf32, #tpu.memory_space<hbm>> -> memref<240x128xf32, #tpu.memory_space<hbm>>
    %dma_start3A_535 = arith.constant 0 : i32
    %dma_start3A_536 = tpu.memref_slice %arg4[%add3A_532, %dma_start3A_535] : memref<100000x128xf32, #tpu.memory_space<hbm>> -> memref<240x128xf32, #tpu.memory_space<hbm>>
    tpu.enqueue_dma source(%arg8 : memref<240x128xf32, #tpu.memory_space<vmem>>) target(%dma_start3A_536 : memref<240x128xf32, #tpu.memory_space<hbm>>) target_semaphore(%arg16 : memref<!tpu.dma_semaphore, #tpu.memory_space<semaphore_mem>>)
    %dma_wait3A_537 = arith.constant 0 : i32
    %dma_wait3A_538 = tpu.memref_slice %arg4[%add3A_446, %dma_wait3A_537] : memref<100000x128xf32, #tpu.memory_space<hbm>> -> memref<240x128xf32, #tpu.memory_space<hbm>>
    %dma_wait3A_539 = arith.constant 0 : i32
    %dma_wait3A_540 = tpu.memref_slice %arg4[%add3A_446, %dma_wait3A_539] : memref<100000x128xf32, #tpu.memory_space<hbm>> -> memref<240x128xf32, #tpu.memory_space<hbm>>
    tpu.wait_dma2 semaphore(%arg17 : memref<!tpu.dma_semaphore, #tpu.memory_space<semaphore_mem>>) src(%arg9 : memref<240x128xf32, #tpu.memory_space<vmem>>) dst(%dma_wait3A_540 : memref<240x128xf32, #tpu.memory_space<hbm>>)
    %dma_wait3A_541 = arith.constant 0 : i32
    %dma_wait3A_542 = tpu.memref_slice %arg4[%add3A_488, %dma_wait3A_541] : memref<100000x128xf32, #tpu.memory_space<hbm>> -> memref<240x128xf32, #tpu.memory_space<hbm>>
    %dma_wait3A_543 = arith.constant 0 : i32
    %dma_wait3A_544 = tpu.memref_slice %arg4[%add3A_488, %dma_wait3A_543] : memref<100000x128xf32, #tpu.memory_space<hbm>> -> memref<240x128xf32, #tpu.memory_space<hbm>>
    tpu.wait_dma2 semaphore(%arg18 : memref<!tpu.dma_semaphore, #tpu.memory_space<semaphore_mem>>) src(%arg10 : memref<240x128xf32, #tpu.memory_space<vmem>>) dst(%dma_wait3A_544 : memref<240x128xf32, #tpu.memory_space<hbm>>)
    %dma_wait3A_545 = arith.constant 0 : i32
    %dma_wait3A_546 = tpu.memref_slice %arg4[%add3A_510, %dma_wait3A_545] : memref<100000x128xf32, #tpu.memory_space<hbm>> -> memref<240x128xf32, #tpu.memory_space<hbm>>
    %dma_wait3A_547 = arith.constant 0 : i32
    %dma_wait3A_548 = tpu.memref_slice %arg4[%add3A_510, %dma_wait3A_547] : memref<100000x128xf32, #tpu.memory_space<hbm>> -> memref<240x128xf32, #tpu.memory_space<hbm>>
    tpu.wait_dma2 semaphore(%arg19 : memref<!tpu.dma_semaphore, #tpu.memory_space<semaphore_mem>>) src(%arg11 : memref<240x128xf32, #tpu.memory_space<vmem>>) dst(%dma_wait3A_548 : memref<240x128xf32, #tpu.memory_space<hbm>>)
    %dma_wait3A_549 = arith.constant 0 : i32
    %dma_wait3A_550 = tpu.memref_slice %arg4[%add3A_532, %dma_wait3A_549] : memref<100000x128xf32, #tpu.memory_space<hbm>> -> memref<240x128xf32, #tpu.memory_space<hbm>>
    %dma_wait3A_551 = arith.constant 0 : i32
    %dma_wait3A_552 = tpu.memref_slice %arg4[%add3A_532, %dma_wait3A_551] : memref<100000x128xf32, #tpu.memory_space<hbm>> -> memref<240x128xf32, #tpu.memory_space<hbm>>
    tpu.wait_dma2 semaphore(%arg16 : memref<!tpu.dma_semaphore, #tpu.memory_space<semaphore_mem>>) src(%arg8 : memref<240x128xf32, #tpu.memory_space<vmem>>) dst(%dma_wait3A_552 : memref<240x128xf32, #tpu.memory_space<hbm>>)
    %lt3A_553 = arith.constant 2 : i32
    %lt3A_554 = arith.cmpi slt, %add3A, %lt3A_553 : i32
    %convert_element_type3A_555 = arith.extui %lt3A_554 : i1 to i32
    %cond3A_556 = arith.constant 0 : i32
    %cond3A_557 = arith.cmpi ne, %convert_element_type3A_555, %cond3A_556 : i32
    scf.if %cond3A_557 {
      %dma_start3A_558 = arith.constant 0 : i32
      %dma_start3A_559 = arith.constant 0 : i32
      %dma_start3A_560 = tpu.memref_slice %arg8[%dma_start3A_558, %dma_start3A_559] : memref<240x128xf32, #tpu.memory_space<vmem>> -> memref<80x128xf32, #tpu.memory_space<vmem>>
      %dma_start3A_561 = arith.constant 3120 : i32
      %dma_start3A_562 = tpu.memref_slice %arg5[%dma_start3A_561] : memref<3200xi32, #tpu.memory_space<vmem>> -> memref<80xi32, #tpu.memory_space<vmem>>
      %dma_start3A_563 = arith.constant 0 : i32
      %dma_start3A_564 = arith.constant 0 : i32
      %dma_start3A_565 = tpu.memref_slice %arg7[%dma_start3A_563, %dma_start3A_564] : memref<9x128xf32, #tpu.memory_space<vmem_shared>> -> memref<9x128xf32, #tpu.memory_space<vmem_shared>>
      tpu.enqueue_indirect_dma source(%dma_start3A_565 : memref<9x128xf32, #tpu.memory_space<vmem_shared>>) target(%dma_start3A_560 : memref<80x128xf32, #tpu.memory_space<vmem>>) offsets(%dma_start3A_562 : memref<80xi32, #tpu.memory_space<vmem>>) semaphore(%arg12 : memref<!tpu.dma_semaphore, #tpu.memory_space<semaphore_mem>>)
      %dma_wait3A_566 = arith.constant 0 : i32
      %dma_wait3A_567 = arith.constant 0 : i32
      %dma_wait3A_568 = tpu.memref_slice %arg8[%dma_wait3A_566, %dma_wait3A_567] : memref<240x128xf32, #tpu.memory_space<vmem>> -> memref<80x128xf32, #tpu.memory_space<vmem>>
      %dma_wait3A_569 = arith.constant 3120 : i32
      %dma_wait3A_570 = tpu.memref_slice %arg5[%dma_wait3A_569] : memref<3200xi32, #tpu.memory_space<vmem>> -> memref<80xi32, #tpu.memory_space<vmem>>
      %dma_wait3A_571 = arith.constant 0 : i32
      %dma_wait3A_572 = arith.constant 0 : i32
      %dma_wait3A_573 = tpu.memref_slice %arg7[%dma_wait3A_571, %dma_wait3A_572] : memref<9x128xf32, #tpu.memory_space<vmem_shared>> -> memref<9x128xf32, #tpu.memory_space<vmem_shared>>
      tpu.wait_indirect_dma semaphore(%arg12 : memref<!tpu.dma_semaphore, #tpu.memory_space<semaphore_mem>>) src(%dma_wait3A_573 : memref<9x128xf32, #tpu.memory_space<vmem_shared>>) dst(%dma_wait3A_568 : memref<80x128xf32, #tpu.memory_space<vmem>>)
      %mul3A_574 = arith.constant 80 : i32
      %mul3A_575 = arith.muli %add3A, %mul3A_574 : i32
      %add3A_576 = arith.constant 99840 : i32
      %add3A_577 = arith.addi %add3A_576, %mul3A_575 : i32
      "tpu.region"() ({
        %run_scoped3A = tpu.sem_alloc : memref<!tpu.dma_semaphore, #tpu.memory_space<semaphore_mem>>
        %dma_start3A_578 = arith.constant 0 : i32
        %dma_start3A_579 = arith.constant 0 : i32
        %dma_start3A_580 = tpu.memref_slice %arg8[%dma_start3A_578, %dma_start3A_579] : memref<240x128xf32, #tpu.memory_space<vmem>> -> memref<80x128xf32, #tpu.memory_space<vmem>>
        %dma_start3A_581 = arith.constant 0 : i32
        %dma_start3A_582 = tpu.memref_slice %arg4[%add3A_577, %dma_start3A_581] : memref<100000x128xf32, #tpu.memory_space<hbm>> -> memref<80x128xf32, #tpu.memory_space<hbm>>
        %dma_start3A_583 = arith.constant 0 : i32
        %dma_start3A_584 = tpu.memref_slice %arg4[%add3A_577, %dma_start3A_583] : memref<100000x128xf32, #tpu.memory_space<hbm>> -> memref<80x128xf32, #tpu.memory_space<hbm>>
        %dma_start3A_585 = arith.constant 0 : i32
        %dma_start3A_586 = arith.constant 0 : i32
        %dma_start3A_587 = tpu.memref_slice %arg8[%dma_start3A_585, %dma_start3A_586] : memref<240x128xf32, #tpu.memory_space<vmem>> -> memref<80x128xf32, #tpu.memory_space<vmem>>
        tpu.enqueue_dma source(%dma_start3A_587 : memref<80x128xf32, #tpu.memory_space<vmem>>) target(%dma_start3A_584 : memref<80x128xf32, #tpu.memory_space<hbm>>) target_semaphore(%run_scoped3A : memref<!tpu.dma_semaphore, #tpu.memory_space<semaphore_mem>>)
        %dma_wait3A_588 = arith.constant 0 : i32
        %dma_wait3A_589 = arith.constant 0 : i32
        %dma_wait3A_590 = tpu.memref_slice %arg8[%dma_wait3A_588, %dma_wait3A_589] : memref<240x128xf32, #tpu.memory_space<vmem>> -> memref<80x128xf32, #tpu.memory_space<vmem>>
        %dma_wait3A_591 = arith.constant 0 : i32
        %dma_wait3A_592 = tpu.memref_slice %arg4[%add3A_577, %dma_wait3A_591] : memref<100000x128xf32, #tpu.memory_space<hbm>> -> memref<80x128xf32, #tpu.memory_space<hbm>>
        %dma_wait3A_593 = arith.constant 0 : i32
        %dma_wait3A_594 = tpu.memref_slice %arg4[%add3A_577, %dma_wait3A_593] : memref<100000x128xf32, #tpu.memory_space<hbm>> -> memref<80x128xf32, #tpu.memory_space<hbm>>
        %dma_wait3A_595 = arith.constant 0 : i32
        %dma_wait3A_596 = arith.constant 0 : i32
        %dma_wait3A_597 = tpu.memref_slice %arg8[%dma_wait3A_595, %dma_wait3A_596] : memref<240x128xf32, #tpu.memory_space<vmem>> -> memref<80x128xf32, #tpu.memory_space<vmem>>
        tpu.wait_dma2 semaphore(%run_scoped3A : memref<!tpu.dma_semaphore, #tpu.memory_space<semaphore_mem>>) src(%dma_wait3A_597 : memref<80x128xf32, #tpu.memory_space<vmem>>) dst(%dma_wait3A_594 : memref<80x128xf32, #tpu.memory_space<hbm>>)
        tpu.yield
      }) : () -> ()
    } else {
    }
    return
  }
}

</mosaic_0001>

<sc_bundles>
// kernel: kernel.3.cloned.1.call-start
scs
__scs_entry_jumppad:
0x0: {  	(pc) =	sbr.rel $0x88, $3  }
0x1: {  	(tag) =	ssettag $0x0;
	lr =	simm.s32 $0x1  }
0x2: {  	[smem:$0x3F9F] =	sst lr;
	_ =	strace $0xD0000000  }
0x3: {  	_ = 	snop  }
0x4: {  	_ = 	snop  }
0x5: {  	_ = 	snop  }
0x6: {  	_ = 	snop  }
0x7: {  	_ = 	snop  }
__scs_overlays_trampoline_lowered:
0x8: {  	[smem:$0x3FAE] =	sst s0  }
0x9: {  	[smem:$0x3FAF] =	sst s1  }
0xa: {  	[smem:$0x3FB0] =	sst s2  }
0xb: {  	[smem:$0x3FB1] =	sst s3  }
0xc: {  	[smem:$0x3FB2] =	sst s4  }
0xd: {  	[smem:$0x3FB3] =	sst s5  }
0xe: {  	[smem:$0x3FB4] =	sst s6  }
0xf: {  	[smem:$0x3FB5] =	sst s7  }
0x10: {  	[smem:$0x3FB6] =	sst s8  }
0x11: {  	[smem:$0x3FB7] =	sst s9;
	s0 =	simm.s32 @!p0 $0x0  }
0x12: {  	s1 =	sld [smem:$0x3F9D];
	s0 =	simm.s32 @p0 $0x1  }
0x13: {  	[smem:$0x3FB8] =	sst s0;
	s0 =	simm.s32 @!p1 $0x0  }
0x14: {  	s2 =	sld [smem:$0x3F9C];
	s0 =	simm.s32 @p1 $0x1  }
0x15: {  	[smem:$0x3FB9] =	sst s0;
	s0 =	simm.s32 @!p2 $0x0  }
0x16: {  	s3 =	sld [smem:$0x3FDB];
	s0 =	simm.s32 @p2 $0x1  }
0x17: {  	s4 =	simm.s32 $0x1BF5;
	[smem:$0x3FBB] =	sst s0  }
0x18: {  	s0 =	sld [smem:$0x3F9E];
	_ =	swait.ge [sflag:s4], $0x0  }
0x19: {  	s7 =	sld [smem:$0x3F9F]  }
0x1a: {  	s8 =	sadd.s32 $0xFFFFE003, lr  }
0x1b: {  	s9 =	sadd.s32 $0xFFFFFEF7, lr;
	s5 =	simm.s32 $0xFFFFFFFF;
	p2 =	slt.u32 s8, $0xFFFFF086  }
0x1c: {  	p1 =	slt.u32 s9, $0xF7A;
	s5 =	simm.s32 @!p2 $0x0  }
0x1d: {  	s5 =	simm.s32 @p1 $0x1;
	p0 =	seq.s32 s7, s2  }
0x1e: {  	s7 =	smul.u32 @!p0 $0xF7A, s2;
	p2 =	seq.s32 @!p0 s5, $0x0  }
0x1f: {  	s9 =	smul.u32 $0xF7A, s1;
	s8 =	simm.s32 @!p0 $0x1BF5;
	p2 =	por !p2, p0  }
0x20: {  	[sflag:s8] =	ssyncset.s32 @!p0 $0xFFFFF086;
	s6 =	sadd.s32 @!p0 s3, s7;
	s7 =	simm.s32 @!p0 $0x108  }
0x21: {  	s3 =	sadd.s32 s3, s9;
	s6 =	sadd.s32 @!p0 $0x88, s6;
	s7 =	simm.s32 @p2 $0x1082  }
0x22: {  	[simem:s7], [sflag:s8] =	dma.local @!p0 [hbm:s6], $0xF7A  }
0x23: {  	s9 =	sor.u32 $0xD0000000, s2;
	s6 =	simm.s32 $0x108;
	_ =	swait.ge @!p0 [sflag:s8], $0x0  }
0x24: {  	s3 =	sadd.s32 $0x88, s3;
	s6 =	simm.s32 @!p1 $0x1082;
	[sflag:s4] =	ssyncset.s32 $0xFFFFF086  }
0x25: {  	[simem:s6], [sflag:s4] =	dma.local [hbm:s3], $0xF7A  }
0x26: {  	[smem:$0x3F9F] =	sst s1;
	(tag) =	ssettag s2;
	_ =	strace s9  }
0x27: {  	s1 =	sld [smem:$0x3FAF]  }
0x28: {  	s2 =	sld [smem:$0x3FB0]  }
0x29: {  	s4 =	sld [smem:$0x3FB2]  }
0x2a: {  	p0 =	seq.s32 s5, $0x0;
	s5 =	sld [smem:$0x3FB3]  }
0x2b: {  	s6 =	sld [smem:$0x3FB4]  }
0x2c: {  	s7 =	sld [smem:$0x3FB5]  }
0x2d: {  	s3 =	simm.s32 $0x108;
	s8 =	sld [smem:$0x3FB6]  }
0x2e: {  	s3 =	simm.s32 @!p0 $0x1082;
	s9 =	sld [smem:$0x3FB7]  }
0x2f: {  	lr =	sadd.s32 s0, s3;
	s0 =	sld [smem:$0x3FAE]  }
0x30: {  	s3 =	sld [smem:$0x3FB1]  }
0x31: {  	[smem:$0x3FBA] =	sst s10  }
0x32: {  	s10 =	sld [smem:$0x3FB8];
	_ =	sdelay $0x3  }
0x33: {  	p0 =	seq.s32 s10, $0x1;
	s10 =	sld [smem:$0x3FBA];
	_ =	sdelay $0x3  }
0x34: {  	[smem:$0x3FBA] =	sst s10  }
0x35: {  	s10 =	sld [smem:$0x3FB9];
	_ =	sdelay $0x3  }
0x36: {  	p1 =	seq.s32 s10, $0x1;
	s10 =	sld [smem:$0x3FBA];
	_ =	sdelay $0x3  }
0x37: {  	[smem:$0x3FBA] =	sst s10  }
0x38: {  	s10 =	sld [smem:$0x3FBB]  }
0x39: {  	_ = 	snop;
	(pc) =	sbr.ind lr, $3  }
0x3a: {  	_ = 	snop  }
0x3b: {  	_ = 	snop  }
0x3c: {  	p2 =	seq.s32 s10, $0x1;
	s10 =	sld [smem:$0x3FBA]  }
0x3d: {  	_ =	shalt  }
0x3e: {  	_ =	shalt  }
0x3f: {  	_ =	shalt  }
0x40: {  	_ =	shalt  }
0x41: {  	_ =	shalt  }
0x42: {  	_ =	shalt  }
0x43: {  	_ =	shalt  }
0x44: {  	_ =	shalt  }
0x45: {  	_ =	shalt  }
0x46: {  	_ =	shalt  }
0x47: {  	_ =	shalt  }
0x48: {  	_ =	shalt  }
0x49: {  	_ =	shalt  }
0x4a: {  	_ =	shalt  }
0x4b: {  	_ =	shalt  }
0x4c: {  	_ =	shalt  }
0x4d: {  	_ =	shalt  }
0x4e: {  	_ =	shalt  }
0x4f: {  	_ =	shalt  }
0x50: {  	_ =	shalt  }
0x51: {  	_ =	shalt  }
0x52: {  	_ =	shalt  }
0x53: {  	_ =	shalt  }
0x54: {  	_ =	shalt  }
0x55: {  	_ =	shalt  }
0x56: {  	_ =	shalt  }
0x57: {  	_ =	shalt  }
0x58: {  	_ =	shalt  }
0x59: {  	_ =	shalt  }
0x5a: {  	_ =	shalt  }
0x5b: {  	_ =	shalt  }
0x5c: {  	_ =	shalt  }
0x5d: {  	_ =	shalt  }
0x5e: {  	_ =	shalt  }
0x5f: {  	_ =	shalt  }
0x60: {  	_ =	shalt  }
0x61: {  	_ =	shalt  }
0x62: {  	_ =	shalt  }
0x63: {  	_ =	shalt  }
0x64: {  	_ =	shalt  }
0x65: {  	_ =	shalt  }
0x66: {  	_ =	shalt  }
0x67: {  	_ =	shalt  }
0x68: {  	_ =	shalt  }
0x69: {  	_ =	shalt  }
0x6a: {  	_ =	shalt  }
0x6b: {  	_ =	shalt  }
0x6c: {  	_ =	shalt  }
0x6d: {  	_ =	shalt  }
0x6e: {  	_ =	shalt  }
0x6f: {  	_ =	shalt  }
0x70: {  	_ =	shalt  }
0x71: {  	_ =	shalt  }
0x72: {  	_ =	shalt  }
0x73: {  	_ =	shalt  }
0x74: {  	_ =	shalt  }
0x75: {  	_ =	shalt  }
0x76: {  	_ =	shalt  }
0x77: {  	_ =	shalt  }
0x78: {  	_ =	shalt  }
0x79: {  	_ =	shalt  }
0x7a: {  	_ =	shalt  }
0x7b: {  	_ =	shalt  }
0x7c: {  	_ =	shalt  }
0x7d: {  	_ =	shalt  }
0x7e: {  	_ =	shalt  }
0x7f: {  	_ =	shalt  }
0x80: {  	_ =	shalt  }
0x81: {  	_ =	shalt  }
0x82: {  	_ =	shalt  }
0x83: {  	_ =	shalt  }
0x84: {  	_ =	shalt  }
0x85: {  	_ =	shalt  }
0x86: {  	_ =	shalt  }
0x87: {  	_ =	shalt  }
.Lfunc_end0:
.L_simem_size_0:
called_computation_lowered:
.L_overlay_start_0:
0x88: {  	s2 =	sld [smem:$0x3FD9]  }
0x89: {  	s3 =	sld [smem:$0x3FFE];
	_ =	sdelay $0x1  }
0x8a: {  	s1 =	srdreg.scid  }
0x8b: {  	s0 =	sand.u32 $0x1, s1  }
0x8c: {  	s17 =	sshll.u32 s0, $0xA;
	s2 =	sadd.s32 s3, s2  }
0x8d: {  	s2 =	sadd.s32 s2, s17  }
0x8e: {  	[smem:$0x3FC6] =	sst s2  }
0x8f: {  	_ = 	snop  }
0x90: {  	s2 =	sld [smem:$0x3FC8]  }
0x91: {  	s18 =	sld [smem:$0x3FD0];
	(tm) =	ssettm $0x1  }
0x92: {  	s4 =	sld [smem:$0x3FFB];
	_ =	sdelay $0x3  }
0x93: {  	_ =	strace s4  }
0x94: {  	s4 =	sld [smem:$0x3FFC];
	_ =	sdelay $0x3  }
0x95: {  	_ =	strace s4  }
0x96: {  	s4 =	sld [smem:$0x3FFD];
	_ =	sdelay $0x3  }
0x97: {  	_ =	strace s4  }
0x98: {  	_ =	strace $0x8FFFFFFF  }
0x99: {  	s19 =	sld [smem:$0x3FDB];
	_ =	sdelay $0x1  }
0x9a: {  	s5 =	simm.s32 $_scs_section_size  }
0x9b: {  	s6 =	simm.s32 $_size__tile_overlayer_lowered;
	s7 =	simm.s32 $_tile_overlayer_lowered  }
0x9c: {  	s22 =	simm.s32 $0x1BFF;
	s21 =	sshll.u32 s7, $0x1;
	s4 =	sadd.s32 s5, s19  }
0x9d: {  	s8 =	simm.s32 $0x0;
	s20 =	sshll.u32 s6, $0x1;
	s6 =	sadd.s32 s21, s4  }
0x9e: {  	[timem:s8], [sflag:s22] =	dma.local [hbm:s6], s20  }
0x9f: {  	_ =	swait.ge [sflag:s22], s20  }
0xa0: {  	s5 =	ssub.s32 $0x0, s20;
	[sflag:s22] =	ssyncset.done $0x0  }
0xa1: {  	[sflag:s22] =	ssyncadd.s32 s5;
	_ =	sdelay $0x1  }
0xa2: {  	s23 =	simm.s32 $0x1B8B  }
0xa3: {  	_ =	swait.ge [sflag:s23], $0x1  }
0xa4: {  	[sflag:s23] =	ssyncset.done $0x0  }
0xa5: {  	s25 =	simm.s32 $0x1B8E;
	s24 =	sld [smem:$0x3FFE];
	[sflag:s23] =	ssyncadd.s32 $0xFFFFFFFF  }
0xa6: {  	s26 =	simm.s32 $execute0_lowered;
	[smem:$0x3FD2] =	sst s25  }
0xa7: {  	s6 =	sshll.u32 s26, $0x1;
	_ =	strace $0x80000046;
	[dreg:$0x1] =	wrdreg $0xFFFFFFFF  }
0xa8: {  	s28 =	simm.s32 $_size_execute0_lowered;
	s4 =	sadd.s32 s4, s6;
	[dreg:$0x0] =	wrdreg $0x0  }
0xa9: {  	s6 =	sshll.u32 s28, $0x1;
	[dreg:$0x2] =	wrdreg s4  }
0xaa: {  	[dreg:$0x3] =	wrdreg s6  }
0xab: {  	[dreg:$0x4] =	wrdreg $0xC0  }
0xac: {  	_ =	task [dreg:s8], $0x5FFFF  }
0xad: {  	[dreg:$0x1] =	wrdreg $0xFFFFFFFF  }
0xae: {  	[dreg:$0x0] =	wrdreg $0x60  }
0xaf: {  	[dreg:$0x2] =	wrdreg s24  }
0xb0: {  	[dreg:$0x3] =	wrdreg s2  }
0xb1: {  	[dreg:$0x4] =	wrdreg s18  }
0xb2: {  	[dreg:$0x5] =	wrdreg $0x14800  }
0xb3: {  	[dreg:$0x6] =	wrdreg $0x9  }
0xb4: {  	_ =	task.clear_ibuf [dreg:s8], $0x7FFFF;
	_ =	strace $0x90000046  }
0xb5: {  	s29 =	simm.s32 $0x9;
	_ =	strace $0x80000048  }
0xb6: {  	_ =	swait.ge [sflag:s29], $0x1  }
0xb7: {  	[sflag:s29] =	ssyncadd.s32 $0xFFFFFFFF  }
0xb8: {  	_ =	strace $0x90000048  }
0xb9: {  	_ =	sfence  }
0xba: {  	s30 =	sld [smem:$0x0];
	_ =	sdelay $0x2  }
0xbb: {  	s31 =	sshll.u32 s1, $0xD;
	s1 =	sshrl.u32 s1, $0x2  }
0xbc: {  	s3 =	sand.u32 $0x4000, s31;
	s1 =	sadd.s32 s1, s30  }
0xbd: {  	s0 =	sor.u32 s3, s0;
	s1 =	sshll.u32 s1, $0x11  }
0xbe: {  	s0 =	sor.u32 s1, s0  }
0xbf: {  	s0 =	sadd.s32 $0x8F2B, s0  }
0xc0: {  	[sflag:s0] =	ssyncadd.remote.s32 $0x1  }
0xc1: {  	_ =	sfence.sel $0xFFFF  }
0xc2: {  	[dreg:$0x0] =	wrdreg $0xFFFFFFFF;
	(pc) =	sbr.abs _section_cstart, $3  }
0xc3: {  	[dreg:$0x1] =	wrdreg $0xFFFFFFFF  }
0xc4: {  	_ =	task.clear_ibuf [dreg:s8], $0x2FFFF;
	_ =	strace $0x9FFFFFFF  }
0xc5: {  	(tm) =	ssettm $0x7FFFFFFF  }
tec
execute0_lowered:
.L_overlay_start_1:
0x0: {  	(tag) =	ssettag $0x1  }
0x1: {  	s0 =	rddreg [dreg:$0x0]  }
0x2: {  	s1 =	rddreg [dreg:$0x1]  }
0x3: {  	s25 =	srdreg.scid;
	s4 =	rddreg [dreg:$0x2]  }
0x4: {  	s3 =	stileid.u32;
	[dreg:$0x5] =	wrdreg s1  }
0x5: {  	s5 =	sand.u32 $0x1, s25;
	s2 =	sshll.u32 s3, $0x1;
	s1 =	rddreg [dreg:$0x3]  }
0x6: {  	s25 =	rddreg [dreg:$0x4];
	s6 =	sor.u32 s5, s2;
	s2 =	simm.s32 $0x0  }
0x7: {  	s22 =	simm.s32 $0xF0;
	s23 =	simm.s32 $0x168;
	[smem:$0x7FF] =	sst s2  }
0x8: {  	s8 =	smul.u32 $0xA, s5;
	_ =	strace $0x80000047;
	[dreg:$0x16] =	wrdreg s22  }
0x9: {  	s24 =	simm.s32 $0x1E0;
	s7 =	smul.u32 $0x186, s6;
	[dreg:$0x17] =	wrdreg s23  }
0xa: {  	s9 =	smul.u32 $0x61800, s6;
	[dreg:$0x18] =	wrdreg s24;
	s22 =	simm.s32 $0x870  }
0xb: {  	s6 =	smul.u32 $0xC300, s6;
	s24 =	simm.s32 $0x8E8;
	[smem:$0x7F9] =	sst s22  }
0xc: {  	s7 =	sadd.s32 s0, s7;
	[smem:$0x7FA] =	sst s24  }
0xd: {  	s0 =	sadd.s32 s8, s0;
	s28 =	sadd.s32 s4, s6;
	[dreg:$0x6] =	wrdreg s7  }
0xe: {  	s26 =	sshrl.u32 s9, $0x3;
	s0 =	sadd.s32 $0x30C0, s0;
	[dreg:$0x8] =	wrdreg s28  }
0xf: {  	s29 =	sadd.s32 s4, s26;
	s26 =	simm.s32 $0x258;
	[dreg:$0x7] =	wrdreg s0  }
0x10: {  	s31 =	simm.s32 $0xAC8;
	s28 =	simm.s32 $0x2D0;
	[dreg:$0x19] =	wrdreg s26  }
0x11: {  	s30 =	simm.s32 $0xBB8;
	s7 =	sadd.s32 $0xF00, s29;
	[dreg:$0x1a] =	wrdreg s28  }
0x12: {  	p1 =	por $0x0, $0x0;
	s8 =	sadd.s32 $0x1E00, s29;
	[dreg:$0x9] =	wrdreg s7  }
0x13: {  	p0 =	sne.s32 s3, $0x0;
	s9 =	sadd.s32 $0x2D00, s29;
	[dreg:$0xa] =	wrdreg s8  }
0x14: {  	s3 =	simm.s32 $0x14C8;
	s10 =	sadd.s32 $0x3C00, s29;
	[dreg:$0xb] =	wrdreg s9  }
0x15: {  	s17 =	smul.u32 $0x500, s5;
	s11 =	sadd.s32 $0x4B00, s29;
	[dreg:$0xc] =	wrdreg s10  }
0x16: {  	s5 =	ssub.s32 $0x2, s5;
	s12 =	sadd.s32 $0x5A00, s29;
	[dreg:$0xd] =	wrdreg s11  }
0x17: {  	s21 =	sshrl.u32 s5, $0x1;
	s13 =	sadd.s32 $0x6900, s29;
	[dreg:$0xe] =	wrdreg s12  }
0x18: {  	s23 =	simm.s32 $0x9;
	s14 =	sadd.s32 $0x7800, s29;
	[dreg:$0xf] =	wrdreg s13  }
0x19: {  	s6 =	simm.s32 $0x78;
	s15 =	sadd.s32 $0x8700, s29;
	[dreg:$0x10] =	wrdreg s14  }
0x1a: {  	s22 =	simm.s32 $0xB40;
	s16 =	sadd.s32 $0x9600, s29;
	[dreg:$0x11] =	wrdreg s15  }
0x1b: {  	s4 =	sadd.s32 s17, s4;
	s18 =	sadd.s32 $0xA500, s29;
	[dreg:$0x12] =	wrdreg s16  }
0x1c: {  	s17 =	simm.s32 $0x1B8C8;
	s19 =	sadd.s32 $0xB400, s29;
	[dreg:$0x13] =	wrdreg s18  }
0x1d: {  	s20 =	sadd.s32 $0x186000, s4;
	s4 =	ssub.s32 s5, s21;
	[dreg:$0x14] =	wrdreg s19  }
0x1e: {  	s29 =	simm.s32 $0x348;
	s5 =	simm.s32 $0x438;
	[dreg:$0x15] =	wrdreg s20  }
0x1f: {  	s21 =	simm.s32 $0x7F8;
	s26 =	simm.s32 $0x960;
	[dreg:$0x1b] =	wrdreg s29  }
0x20: {  	s28 =	simm.s32 $0x9D8;
	s19 =	smax.u32 s4, $0x1;
	[dreg:$0x1d] =	wrdreg s5  }
0x21: {  	s4 =	simm.s32 $0x3C0;
	s7 =	simm.s32 $0x50C8;
	[smem:$0x7F8] =	sst s21  }
0x22: {  	s11 =	simm.s32 $0x8CC8;
	s8 =	simm.s32 $0x4B0;
	[smem:$0x7FB] =	sst s26  }
0x23: {  	s20 =	simm.s32 $0xC8C8;
	s9 =	simm.s32 $0x528;
	[smem:$0x7FC] =	sst s28  }
0x24: {  	s10 =	simm.s32 $0x5A0;
	s18 =	simm.s32 $0x140C8;
	[dreg:$0x1c] =	wrdreg s4  }
0x25: {  	s12 =	simm.s32 $0x618;
	s5 =	simm.s32 $0x1;
	[dreg:$0x1e] =	wrdreg s8  }
0x26: {  	s13 =	simm.s32 $0x690;
	s14 =	simm.s32 $0x708;
	[dreg:$0x1f] =	wrdreg s9  }
0x27: {  	s15 =	simm.s32 $0x780;
	[smem:$0x7F3] =	sst s10;
	s0 =	sadd.s32 $0xFFFFFFFF, s19  }
0x28: {  	s16 =	simm.s32 $0x2;
	[smem:$0x7F4] =	sst s12;
	p2 =	sne.s32 s0, $0x0  }
.Ltmp0:
0x29: {  	s29 =	simm.s32 $0xA50;
	[smem:$0x7F5] =	sst s13;
	(pc) =	sbr.rel @!p2 .LBB2_1-.Ltmp0, $4  }
0x2a: {  	s8 =	simm.s32 $0x104C8;
	s9 =	simm.s32 $0x17CC8;
	[smem:$0x7F6] =	sst s14  }
0x2b: {  	[smem:$0x7F7] =	sst s15;
	s4 =	simm.s32 $0x5;
	s15 =	simm.s32 $0x3  }
0x2c: {  	s10 =	simm.s32 $0x6;
	s14 =	simm.s32 $0x4;
	[smem:$0x7FD] =	sst s29  }
0x2d: {  	s12 =	simm.s32 $0x7;
	s13 =	simm.s32 $0x8;
	s19 =	rddreg [dreg:$0x5]  }
0x2e: {  	s25 =	simm.s32 @!p0 $0x0;
	s26 =	simm.s32 @!p0 $0xC80;
	s24 =	simm.s32 @!p0 $0x9  }
0x2f: {  	[tilespmem:s26], [sflag:$0x9] =	stream.linear.gather @!p0 [hbm4b:s19+s25], $0x480, $0x38;
	[tilespmem:$0x1F4C8] =	vst v63  }
0x30: {  	_ =	swait.ge @!p0 [sflag:s24], $0x480  }
0x31: {  	[sflag:s24] =	ssyncset.done @!p0 $0x0  }
0x32: {  	[sflag:s24] =	ssyncadd.s32 @!p0 $0xFFFFFB80  }
0x33: {  	[spmem:s1] =	stream.linear.scatter @!p0 [tilespmem:s26], [sflag:$0x9], $0x480, $0x38;
	[tilespmem:$0x1F4C8] =	vst v63  }
0x34: {  	_ =	swait.ge @!p0 [sflag:s24], $0x480  }
0x35: {  	[sflag:s24] =	ssyncset.done @!p0 $0x0  }
0x36: {  	[sflag:s24] =	ssyncadd.s32 @!p0 $0xFFFFFB80  }
0x37: {  	[bflag:$0x0] =	sbarrier.arrive $0xFFFF  }
0x38: {  	s21 =	rddreg [dreg:$0x6]  }
0x39: {  	[tilespmem:s2], [sflag:$0x9] =	stream.linear.gather [hbm4b:s21+s2], $0xC30, $0x38;
	[tilespmem:$0x1F4C8] =	vst v63  }
0x3a: {  	_ =	swait.ge [sflag:s23], $0xC30  }
0x3b: {  	[sflag:s23] =	ssyncset.done $0x0  }
0x3c: {  	s28 =	simm.s32 @!p0 $0xC30;
	s19 =	rddreg [dreg:$0x7];
	[sflag:s23] =	ssyncadd.s32 $0xFFFFF3D0  }
0x3d: {  	[tilespmem:s28], [sflag:$0x9] =	stream.linear.gather @!p0 [hbm4b:s19+s25], $0x50, $0x38;
	[tilespmem:$0x1F4C8] =	vst v63  }
0x3e: {  	_ =	swait.ge @!p0 [sflag:s24], $0x50  }
0x3f: {  	[sflag:s24] =	ssyncset.done @!p0 $0x0  }
0x40: {  	[sflag:s24] =	ssyncadd.s32 @!p0 $0xFFFFFFB0  }
0x41: {  	[tilespmem:s3], [sflag:$0x1] =	stream.indirect.gather [spmem:s1], $0x80, s2, s6, $0xb8;
	[tilespmem:$0x1F4C8] =	vst v63  }
0x42: {  	_ = 	snop  }
0x43: {  	[tilespmem:s7], [sflag:$0x1] =	stream.indirect.gather [spmem:s1], $0x80, s6, s6, $0xb8;
	[tilespmem:$0x1F4C8] =	vst v63  }
0x44: {  	s21 =	rddreg [dreg:$0x16]  }
0x45: {  	[tilespmem:s11], [sflag:$0x2] =	stream.indirect.gather [spmem:s1], $0x80, s21, s6, $0xb8;
	[tilespmem:$0x1F4C8] =	vst v63  }
0x46: {  	s29 =	rddreg [dreg:$0x17]  }
0x47: {  	[tilespmem:s20], [sflag:$0x2] =	stream.indirect.gather [spmem:s1], $0x80, s29, s6, $0xb8;
	[tilespmem:$0x1F4C8] =	vst v63  }
0x48: {  	s21 =	rddreg [dreg:$0x18]  }
0x49: {  	[tilespmem:s8], [sflag:$0x3] =	stream.indirect.gather [spmem:s1], $0x80, s21, s6, $0xb8;
	[tilespmem:$0x1F4C8] =	vst v63  }
0x4a: {  	s29 =	rddreg [dreg:$0x19]  }
0x4b: {  	[tilespmem:s18], [sflag:$0x3] =	stream.indirect.gather [spmem:s1], $0x80, s29, s6, $0xb8;
	[tilespmem:$0x1F4C8] =	vst v63  }
0x4c: {  	_ =	swait.ge [sflag:s5], $0x3C00  }
0x4d: {  	[sflag:s5] =	ssyncset.done $0x0  }
0x4e: {  	[sflag:s5] =	ssyncadd.s32 $0xFFFFC400  }
0x4f: {  	_ =	swait.ge [sflag:s5], $0x3C00  }
0x50: {  	[sflag:s5] =	ssyncset.done $0x0  }
0x51: {  	s21 =	rddreg [dreg:$0x8];
	[sflag:s5] =	ssyncadd.s32 $0xFFFFC400  }
0x52: {  	[hbm4b:s21+s2] =	stream.linear.scatter [tilespmem:s3], [sflag:$0x5], $0x7800, $0x38;
	[tilespmem:$0x1F4C8] =	vst v63  }
0x53: {  	s29 =	rddreg [dreg:$0x1a]  }
0x54: {  	[tilespmem:s9], [sflag:$0x4] =	stream.indirect.gather [spmem:s1], $0x80, s29, s6, $0xb8;
	[tilespmem:$0x1F4C8] =	vst v63  }
0x55: {  	s21 =	rddreg [dreg:$0x1b]  }
0x56: {  	[tilespmem:s17], [sflag:$0x4] =	stream.indirect.gather [spmem:s1], $0x80, s21, s6, $0xb8;
	[tilespmem:$0x1F4C8] =	vst v63  }
0x57: {  	_ =	swait.ge [sflag:s16], $0x3C00  }
0x58: {  	[sflag:s16] =	ssyncset.done $0x0  }
0x59: {  	[sflag:s16] =	ssyncadd.s32 $0xFFFFC400  }
0x5a: {  	_ =	swait.ge [sflag:s16], $0x3C00  }
0x5b: {  	[sflag:s16] =	ssyncset.done $0x0  }
0x5c: {  	s21 =	rddreg [dreg:$0x9];
	[sflag:s16] =	ssyncadd.s32 $0xFFFFC400  }
0x5d: {  	[hbm4b:s21+s2] =	stream.linear.scatter [tilespmem:s11], [sflag:$0x6], $0x7800, $0x38;
	[tilespmem:$0x1F4C8] =	vst v63  }
0x5e: {  	_ =	swait.ge [sflag:s4], $0x7800  }
0x5f: {  	[sflag:s4] =	ssyncset.done $0x0  }
0x60: {  	s21 =	rddreg [dreg:$0x1c];
	[sflag:s4] =	ssyncadd.s32 $0xFFFF8800  }
0x61: {  	[tilespmem:s3], [sflag:$0x1] =	stream.indirect.gather [spmem:s1], $0x80, s21, s6, $0xb8;
	[tilespmem:$0x1F4C8] =	vst v63  }
0x62: {  	s29 =	rddreg [dreg:$0x1d]  }
0x63: {  	[tilespmem:s7], [sflag:$0x1] =	stream.indirect.gather [spmem:s1], $0x80, s29, s6, $0xb8;
	[tilespmem:$0x1F4C8] =	vst v63  }
0x64: {  	_ =	swait.ge [sflag:s15], $0x3C00  }
0x65: {  	[sflag:s15] =	ssyncset.done $0x0  }
0x66: {  	[sflag:s15] =	ssyncadd.s32 $0xFFFFC400  }
0x67: {  	_ =	swait.ge [sflag:s15], $0x3C00  }
0x68: {  	[sflag:s15] =	ssyncset.done $0x0  }
0x69: {  	s21 =	rddreg [dreg:$0xa];
	[sflag:s15] =	ssyncadd.s32 $0xFFFFC400  }
0x6a: {  	[hbm4b:s21+s2] =	stream.linear.scatter [tilespmem:s8], [sflag:$0x7], $0x7800, $0x38;
	[tilespmem:$0x1F4C8] =	vst v63  }
0x6b: {  	_ =	swait.ge [sflag:s10], $0x7800  }
0x6c: {  	[sflag:s10] =	ssyncset.done $0x0  }
0x6d: {  	s21 =	rddreg [dreg:$0x1e];
	[sflag:s10] =	ssyncadd.s32 $0xFFFF8800  }
0x6e: {  	[tilespmem:s11], [sflag:$0x2] =	stream.indirect.gather [spmem:s1], $0x80, s21, s6, $0xb8;
	[tilespmem:$0x1F4C8] =	vst v63  }
0x6f: {  	s29 =	rddreg [dreg:$0x1f]  }
0x70: {  	[tilespmem:s20], [sflag:$0x2] =	stream.indirect.gather [spmem:s1], $0x80, s29, s6, $0xb8;
	[tilespmem:$0x1F4C8] =	vst v63  }
0x71: {  	_ =	swait.ge [sflag:s14], $0x3C00  }
0x72: {  	[sflag:s14] =	ssyncset.done $0x0  }
0x73: {  	[sflag:s14] =	ssyncadd.s32 $0xFFFFC400  }
0x74: {  	_ =	swait.ge [sflag:s14], $0x3C00  }
0x75: {  	[sflag:s14] =	ssyncset.done $0x0  }
0x76: {  	s21 =	rddreg [dreg:$0xb];
	[sflag:s14] =	ssyncadd.s32 $0xFFFFC400  }
0x77: {  	[hbm4b:s21+s2] =	stream.linear.scatter [tilespmem:s9], [sflag:$0x8], $0x7800, $0x38;
	[tilespmem:$0x1F4C8] =	vst v63  }
0x78: {  	_ =	swait.ge [sflag:s12], $0x7800  }
0x79: {  	s21 =	sld [smem:$0x7F3]  }
0x7a: {  	[sflag:s12] =	ssyncset.done $0x0  }
0x7b: {  	s29 =	sld [smem:$0x7F4];
	[sflag:s12] =	ssyncadd.s32 $0xFFFF8800  }
0x7c: {  	[tilespmem:s8], [sflag:$0x3] =	stream.indirect.gather [spmem:s1], $0x80, s21, s6, $0xb8;
	[tilespmem:$0x1F4C8] =	vst v63  }
0x7d: {  	_ = 	snop  }
0x7e: {  	[tilespmem:s18], [sflag:$0x3] =	stream.indirect.gather [spmem:s1], $0x80, s29, s6, $0xb8;
	[tilespmem:$0x1F4C8] =	vst v63  }
0x7f: {  	_ =	swait.ge [sflag:s5], $0x3C00  }
0x80: {  	[sflag:s5] =	ssyncset.done $0x0  }
0x81: {  	[sflag:s5] =	ssyncadd.s32 $0xFFFFC400  }
0x82: {  	_ =	swait.ge [sflag:s5], $0x3C00  }
0x83: {  	[sflag:s5] =	ssyncset.done $0x0  }
0x84: {  	s21 =	rddreg [dreg:$0xc];
	[sflag:s5] =	ssyncadd.s32 $0xFFFFC400  }
0x85: {  	[hbm4b:s21+s2] =	stream.linear.scatter [tilespmem:s3], [sflag:$0x5], $0x7800, $0x38;
	[tilespmem:$0x1F4C8] =	vst v63  }
0x86: {  	_ =	swait.ge [sflag:s13], $0x7800  }
0x87: {  	s21 =	sld [smem:$0x7F5]  }
0x88: {  	[sflag:s13] =	ssyncset.done $0x0  }
0x89: {  	s29 =	sld [smem:$0x7F6];
	[sflag:s13] =	ssyncadd.s32 $0xFFFF8800  }
0x8a: {  	[tilespmem:s9], [sflag:$0x4] =	stream.indirect.gather [spmem:s1], $0x80, s21, s6, $0xb8;
	[tilespmem:$0x1F4C8] =	vst v63  }
0x8b: {  	_ = 	snop  }
0x8c: {  	[tilespmem:s17], [sflag:$0x4] =	stream.indirect.gather [spmem:s1], $0x80, s29, s6, $0xb8;
	[tilespmem:$0x1F4C8] =	vst v63  }
0x8d: {  	_ =	swait.ge [sflag:s16], $0x3C00  }
0x8e: {  	[sflag:s16] =	ssyncset.done $0x0  }
0x8f: {  	[sflag:s16] =	ssyncadd.s32 $0xFFFFC400  }
0x90: {  	_ =	swait.ge [sflag:s16], $0x3C00  }
0x91: {  	[sflag:s16] =	ssyncset.done $0x0  }
0x92: {  	s21 =	rddreg [dreg:$0xd];
	[sflag:s16] =	ssyncadd.s32 $0xFFFFC400  }
0x93: {  	[hbm4b:s21+s2] =	stream.linear.scatter [tilespmem:s11], [sflag:$0x6], $0x7800, $0x38;
	[tilespmem:$0x1F4C8] =	vst v63  }
0x94: {  	_ =	swait.ge [sflag:s4], $0x7800  }
0x95: {  	s21 =	sld [smem:$0x7F7]  }
0x96: {  	[sflag:s4] =	ssyncset.done $0x0  }
0x97: {  	s29 =	sld [smem:$0x7F8];
	[sflag:s4] =	ssyncadd.s32 $0xFFFF8800  }
0x98: {  	[tilespmem:s3], [sflag:$0x1] =	stream.indirect.gather [spmem:s1], $0x80, s21, s6, $0xb8;
	[tilespmem:$0x1F4C8] =	vst v63  }
0x99: {  	_ = 	snop  }
0x9a: {  	[tilespmem:s7], [sflag:$0x1] =	stream.indirect.gather [spmem:s1], $0x80, s29, s6, $0xb8;
	[tilespmem:$0x1F4C8] =	vst v63  }
0x9b: {  	_ =	swait.ge [sflag:s15], $0x3C00  }
0x9c: {  	[sflag:s15] =	ssyncset.done $0x0  }
0x9d: {  	[sflag:s15] =	ssyncadd.s32 $0xFFFFC400  }
0x9e: {  	_ =	swait.ge [sflag:s15], $0x3C00  }
0x9f: {  	[sflag:s15] =	ssyncset.done $0x0  }
0xa0: {  	s21 =	rddreg [dreg:$0xe];
	[sflag:s15] =	ssyncadd.s32 $0xFFFFC400  }
0xa1: {  	[hbm4b:s21+s2] =	stream.linear.scatter [tilespmem:s8], [sflag:$0x7], $0x7800, $0x38;
	[tilespmem:$0x1F4C8] =	vst v63  }
0xa2: {  	_ =	swait.ge [sflag:s10], $0x7800  }
0xa3: {  	s21 =	sld [smem:$0x7F9]  }
0xa4: {  	[sflag:s10] =	ssyncset.done $0x0  }
0xa5: {  	s29 =	sld [smem:$0x7FA];
	[sflag:s10] =	ssyncadd.s32 $0xFFFF8800  }
0xa6: {  	[tilespmem:s11], [sflag:$0x2] =	stream.indirect.gather [spmem:s1], $0x80, s21, s6, $0xb8;
	[tilespmem:$0x1F4C8] =	vst v63  }
0xa7: {  	_ = 	snop  }
0xa8: {  	[tilespmem:s20], [sflag:$0x2] =	stream.indirect.gather [spmem:s1], $0x80, s29, s6, $0xb8;
	[tilespmem:$0x1F4C8] =	vst v63  }
0xa9: {  	_ =	swait.ge [sflag:s14], $0x3C00  }
0xaa: {  	[sflag:s14] =	ssyncset.done $0x0  }
0xab: {  	[sflag:s14] =	ssyncadd.s32 $0xFFFFC400  }
0xac: {  	_ =	swait.ge [sflag:s14], $0x3C00  }
0xad: {  	[sflag:s14] =	ssyncset.done $0x0  }
0xae: {  	s21 =	rddreg [dreg:$0xf];
	[sflag:s14] =	ssyncadd.s32 $0xFFFFC400  }
0xaf: {  	[hbm4b:s21+s2] =	stream.linear.scatter [tilespmem:s9], [sflag:$0x8], $0x7800, $0x38;
	[tilespmem:$0x1F4C8] =	vst v63  }
0xb0: {  	_ =	swait.ge [sflag:s12], $0x7800  }
0xb1: {  	s21 =	sld [smem:$0x7FB]  }
0xb2: {  	[sflag:s12] =	ssyncset.done $0x0  }
0xb3: {  	s29 =	sld [smem:$0x7FC];
	[sflag:s12] =	ssyncadd.s32 $0xFFFF8800  }
0xb4: {  	[tilespmem:s8], [sflag:$0x3] =	stream.indirect.gather [spmem:s1], $0x80, s21, s6, $0xb8;
	[tilespmem:$0x1F4C8] =	vst v63  }
0xb5: {  	_ = 	snop  }
0xb6: {  	[tilespmem:s18], [sflag:$0x3] =	stream.indirect.gather [spmem:s1], $0x80, s29, s6, $0xb8;
	[tilespmem:$0x1F4C8] =	vst v63  }
0xb7: {  	_ =	swait.ge [sflag:s5], $0x3C00  }
0xb8: {  	[sflag:s5] =	ssyncset.done $0x0  }
0xb9: {  	[sflag:s5] =	ssyncadd.s32 $0xFFFFC400  }
0xba: {  	_ =	swait.ge [sflag:s5], $0x3C00  }
0xbb: {  	[sflag:s5] =	ssyncset.done $0x0  }
0xbc: {  	s21 =	rddreg [dreg:$0x10];
	[sflag:s5] =	ssyncadd.s32 $0xFFFFC400  }
0xbd: {  	[hbm4b:s21+s2] =	stream.linear.scatter [tilespmem:s3], [sflag:$0x5], $0x7800, $0x38;
	[tilespmem:$0x1F4C8] =	vst v63  }
0xbe: {  	_ =	swait.ge [sflag:s13], $0x7800  }
0xbf: {  	s21 =	sld [smem:$0x7FD]  }
0xc0: {  	[sflag:s13] =	ssyncset.done $0x0  }
0xc1: {  	[sflag:s13] =	ssyncadd.s32 $0xFFFF8800  }
0xc2: {  	[tilespmem:s9], [sflag:$0x4] =	stream.indirect.gather [spmem:s1], $0x80, s21, s6, $0xb8;
	[tilespmem:$0x1F4C8] =	vst v63  }
0xc3: {  	_ = 	snop  }
0xc4: {  	[tilespmem:s17], [sflag:$0x4] =	stream.indirect.gather [spmem:s1], $0x80, s31, s6, $0xb8;
	[tilespmem:$0x1F4C8] =	vst v63  }
0xc5: {  	_ =	swait.ge [sflag:s16], $0x3C00  }
0xc6: {  	[sflag:s16] =	ssyncset.done $0x0  }
0xc7: {  	[sflag:s16] =	ssyncadd.s32 $0xFFFFC400  }
0xc8: {  	_ =	swait.ge [sflag:s16], $0x3C00  }
0xc9: {  	[sflag:s16] =	ssyncset.done $0x0  }
0xca: {  	s21 =	rddreg [dreg:$0x11];
	[sflag:s16] =	ssyncadd.s32 $0xFFFFC400  }
0xcb: {  	[hbm4b:s21+s2] =	stream.linear.scatter [tilespmem:s11], [sflag:$0x6], $0x7800, $0x38;
	[tilespmem:$0x1F4C8] =	vst v63  }
0xcc: {  	_ =	swait.ge [sflag:s4], $0x7800  }
0xcd: {  	[sflag:s4] =	ssyncset.done $0x0  }
0xce: {  	[sflag:s4] =	ssyncadd.s32 $0xFFFF8800  }
0xcf: {  	[tilespmem:s3], [sflag:$0x1] =	stream.indirect.gather [spmem:s1], $0x80, s22, s6, $0xb8;
	[tilespmem:$0x1F4C8] =	vst v63  }
0xd0: {  	_ = 	snop  }
0xd1: {  	[tilespmem:s7], [sflag:$0x1] =	stream.indirect.gather [spmem:s1], $0x80, s30, s6, $0xb8;
	[tilespmem:$0x1F4C8] =	vst v63  }
0xd2: {  	_ =	swait.ge [sflag:s15], $0x3C00  }
0xd3: {  	[sflag:s15] =	ssyncset.done $0x0  }
0xd4: {  	[sflag:s15] =	ssyncadd.s32 $0xFFFFC400  }
0xd5: {  	_ =	swait.ge [sflag:s15], $0x3C00  }
0xd6: {  	[sflag:s15] =	ssyncset.done $0x0  }
0xd7: {  	s22 =	rddreg [dreg:$0x12];
	[sflag:s15] =	ssyncadd.s32 $0xFFFFC400  }
0xd8: {  	[hbm4b:s22+s2] =	stream.linear.scatter [tilespmem:s8], [sflag:$0x7], $0x7800, $0x38;
	[tilespmem:$0x1F4C8] =	vst v63  }
0xd9: {  	_ =	swait.ge [sflag:s14], $0x3C00  }
0xda: {  	[sflag:s14] =	ssyncset.done $0x0  }
0xdb: {  	[sflag:s14] =	ssyncadd.s32 $0xFFFFC400  }
0xdc: {  	_ =	swait.ge [sflag:s14], $0x3C00  }
0xdd: {  	[sflag:s14] =	ssyncset.done $0x0  }
0xde: {  	s21 =	rddreg [dreg:$0x13];
	[sflag:s14] =	ssyncadd.s32 $0xFFFFC400  }
0xdf: {  	[hbm4b:s21+s2] =	stream.linear.scatter [tilespmem:s9], [sflag:$0x8], $0x7800, $0x38;
	[tilespmem:$0x1F4C8] =	vst v63  }
0xe0: {  	_ =	swait.ge [sflag:s5], $0x3C00  }
0xe1: {  	[sflag:s5] =	ssyncset.done $0x0  }
0xe2: {  	[sflag:s5] =	ssyncadd.s32 $0xFFFFC400  }
0xe3: {  	_ =	swait.ge [sflag:s5], $0x3C00  }
0xe4: {  	[sflag:s5] =	ssyncset.done $0x0  }
0xe5: {  	s22 =	rddreg [dreg:$0x14];
	[sflag:s5] =	ssyncadd.s32 $0xFFFFC400  }
0xe6: {  	[hbm4b:s22+s2] =	stream.linear.scatter [tilespmem:s3], [sflag:$0x5], $0x7800, $0x38;
	[tilespmem:$0x1F4C8] =	vst v63  }
0xe7: {  	_ =	swait.ge [sflag:s10], $0x7800  }
0xe8: {  	[sflag:s10] =	ssyncset.done $0x0  }
0xe9: {  	[sflag:s10] =	ssyncadd.s32 $0xFFFF8800  }
0xea: {  	_ =	swait.ge [sflag:s12], $0x7800  }
0xeb: {  	[sflag:s12] =	ssyncset.done $0x0  }
0xec: {  	[sflag:s12] =	ssyncadd.s32 $0xFFFF8800  }
0xed: {  	_ =	swait.ge [sflag:s13], $0x7800  }
0xee: {  	[sflag:s13] =	ssyncset.done $0x0  }
0xef: {  	[sflag:s13] =	ssyncadd.s32 $0xFFFF8800  }
0xf0: {  	_ =	swait.ge [sflag:s4], $0x7800  }
0xf1: {  	s0 =	sadd.s32 $0xFFFFFFFF, s0;
	s29 =	simm.s32 @!p0 $0x1;
	[sflag:s4] =	ssyncset.done $0x0  }
0xf2: {  	s31 =	simm.s32 @!p0 $0x14C8;
	s30 =	simm.s32 @!p0 $0x50;
	[sflag:s4] =	ssyncadd.s32 $0xFFFF8800  }
0xf3: {  	[tilespmem:s31], [sflag:$0x1] =	stream.indirect.gather @!p0 [spmem:s1], $0x80, s28, s30, $0xb8;
	[tilespmem:$0x1F4C8] =	vst v63  }
0xf4: {  	p2 =	sne.s32 s0, $0x0;
	_ =	swait.ge @!p0 [sflag:s29], $0x2800  }
.Ltmp1:
0xf5: {  	[sflag:s29] =	ssyncset.done @!p0 $0x0;
	(pc) =	sbr.rel @!p2 .LBB2_3-.Ltmp1, $4  }
0xf6: {  	s19 =	rddreg [dreg:$0x15];
	[sflag:s29] =	ssyncadd.s32 @!p0 $0xFFFFD800  }
0xf7: {  	[hbm4b:s19+s25] =	stream.linear.scatter @!p0 [tilespmem:s31], [sflag:$0x9], $0x2800, $0x38;
	[tilespmem:$0x1F4C8] =	vst v63  }
0xf8: {  	p1 =	por $0x1, $0x1;
	_ =	swait.ge @!p0 [sflag:s24], $0x2800  }
0xf9: {  	s22 =	simm.s32 $0xAC8;
	s19 =	rddreg [dreg:$0x5];
	[sflag:s24] =	ssyncset.done @!p0 $0x0  }
.LBB2_4:
0xfa: {  	[sflag:s24] =	ssyncadd.s32 @!p0 $0xFFFFD800  }
0xfb: {  	[tilespmem:s26], [sflag:$0x9] =	stream.linear.gather @!p0 [hbm4b:s19+s25], $0x480, $0x38;
	[tilespmem:$0x1F4C8] =	vst v63  }
0xfc: {  	_ =	swait.ge @!p0 [sflag:s24], $0x480  }
0xfd: {  	[sflag:s24] =	ssyncset.done @!p0 $0x0  }
0xfe: {  	[sflag:s24] =	ssyncadd.s32 @!p0 $0xFFFFFB80  }
0xff: {  	[spmem:s1] =	stream.linear.scatter @!p0 [tilespmem:s26], [sflag:$0x9], $0x480, $0x38;
	[tilespmem:$0x1F4C8] =	vst v63  }
0x100: {  	_ =	swait.ge @!p0 [sflag:s24], $0x480  }
0x101: {  	[sflag:s24] =	ssyncset.done @!p0 $0x0  }
0x102: {  	[sflag:s24] =	ssyncadd.s32 @!p0 $0xFFFFFB80  }
0x103: {  	[bflag:$0x0] =	sbarrier.arrive $0xFFFF  }
0x104: {  	s21 =	rddreg [dreg:$0x6]  }
0x105: {  	[tilespmem:s2], [sflag:$0x9] =	stream.linear.gather [hbm4b:s21+s2], $0xC30, $0x38;
	[tilespmem:$0x1F4C8] =	vst v63  }
0x106: {  	_ =	swait.ge [sflag:s23], $0xC30  }
0x107: {  	[sflag:s23] =	ssyncset.done $0x0  }
0x108: {  	s19 =	rddreg [dreg:$0x7];
	[sflag:s23] =	ssyncadd.s32 $0xFFFFF3D0  }
0x109: {  	[tilespmem:s28], [sflag:$0x9] =	stream.linear.gather @!p0 [hbm4b:s19+s25], $0x50, $0x38;
	[tilespmem:$0x1F4C8] =	vst v63  }
0x10a: {  	_ =	swait.ge @!p0 [sflag:s24], $0x50  }
0x10b: {  	[sflag:s24] =	ssyncset.done @!p0 $0x0  }
0x10c: {  	[sflag:s24] =	ssyncadd.s32 @!p0 $0xFFFFFFB0  }
0x10d: {  	[tilespmem:s3], [sflag:$0x1] =	stream.indirect.gather [spmem:s1], $0x80, s2, s6, $0xb8;
	[tilespmem:$0x1F4C8] =	vst v63  }
0x10e: {  	_ = 	snop  }
0x10f: {  	[tilespmem:s7], [sflag:$0x1] =	stream.indirect.gather [spmem:s1], $0x80, s6, s6, $0xb8;
	[tilespmem:$0x1F4C8] =	vst v63  }
0x110: {  	s19 =	rddreg [dreg:$0x16]  }
0x111: {  	[tilespmem:s11], [sflag:$0x2] =	stream.indirect.gather [spmem:s1], $0x80, s19, s6, $0xb8;
	[tilespmem:$0x1F4C8] =	vst v63  }
0x112: {  	s21 =	rddreg [dreg:$0x17]  }
0x113: {  	[tilespmem:s20], [sflag:$0x2] =	stream.indirect.gather [spmem:s1], $0x80, s21, s6, $0xb8;
	[tilespmem:$0x1F4C8] =	vst v63  }
0x114: {  	s19 =	rddreg [dreg:$0x18]  }
0x115: {  	[tilespmem:s8], [sflag:$0x3] =	stream.indirect.gather [spmem:s1], $0x80, s19, s6, $0xb8;
	[tilespmem:$0x1F4C8] =	vst v63  }
0x116: {  	s21 =	rddreg [dreg:$0x19]  }
0x117: {  	[tilespmem:s18], [sflag:$0x3] =	stream.indirect.gather [spmem:s1], $0x80, s21, s6, $0xb8;
	[tilespmem:$0x1F4C8] =	vst v63  }
0x118: {  	_ =	swait.ge [sflag:s5], $0x3C00  }
0x119: {  	[sflag:s5] =	ssyncset.done $0x0  }
0x11a: {  	[sflag:s5] =	ssyncadd.s32 $0xFFFFC400  }
0x11b: {  	_ =	swait.ge [sflag:s5], $0x3C00  }
0x11c: {  	[sflag:s5] =	ssyncset.done $0x0  }
0x11d: {  	s19 =	rddreg [dreg:$0x8];
	[sflag:s5] =	ssyncadd.s32 $0xFFFFC400  }
0x11e: {  	[hbm4b:s19+s2] =	stream.linear.scatter [tilespmem:s3], [sflag:$0x5], $0x7800, $0x38;
	[tilespmem:$0x1F4C8] =	vst v63  }
0x11f: {  	s21 =	rddreg [dreg:$0x1a]  }
0x120: {  	[tilespmem:s9], [sflag:$0x4] =	stream.indirect.gather [spmem:s1], $0x80, s21, s6, $0xb8;
	[tilespmem:$0x1F4C8] =	vst v63  }
0x121: {  	s19 =	rddreg [dreg:$0x1b]  }
0x122: {  	[tilespmem:s17], [sflag:$0x4] =	stream.indirect.gather [spmem:s1], $0x80, s19, s6, $0xb8;
	[tilespmem:$0x1F4C8] =	vst v63  }
0x123: {  	_ =	swait.ge [sflag:s16], $0x3C00  }
0x124: {  	[sflag:s16] =	ssyncset.done $0x0  }
0x125: {  	[sflag:s16] =	ssyncadd.s32 $0xFFFFC400  }
0x126: {  	_ =	swait.ge [sflag:s16], $0x3C00  }
0x127: {  	[sflag:s16] =	ssyncset.done $0x0  }
0x128: {  	s21 =	rddreg [dreg:$0x9];
	[sflag:s16] =	ssyncadd.s32 $0xFFFFC400  }
0x129: {  	[hbm4b:s21+s2] =	stream.linear.scatter [tilespmem:s11], [sflag:$0x6], $0x7800, $0x38;
	[tilespmem:$0x1F4C8] =	vst v63  }
0x12a: {  	_ =	swait.ge [sflag:s4], $0x7800  }
0x12b: {  	[sflag:s4] =	ssyncset.done $0x0  }
0x12c: {  	s19 =	rddreg [dreg:$0x1c];
	[sflag:s4] =	ssyncadd.s32 $0xFFFF8800  }
0x12d: {  	[tilespmem:s3], [sflag:$0x1] =	stream.indirect.gather [spmem:s1], $0x80, s19, s6, $0xb8;
	[tilespmem:$0x1F4C8] =	vst v63  }
0x12e: {  	s21 =	rddreg [dreg:$0x1d]  }
0x12f: {  	[tilespmem:s7], [sflag:$0x1] =	stream.indirect.gather [spmem:s1], $0x80, s21, s6, $0xb8;
	[tilespmem:$0x1F4C8] =	vst v63  }
0x130: {  	_ =	swait.ge [sflag:s15], $0x3C00  }
0x131: {  	[sflag:s15] =	ssyncset.done $0x0  }
0x132: {  	[sflag:s15] =	ssyncadd.s32 $0xFFFFC400  }
0x133: {  	_ =	swait.ge [sflag:s15], $0x3C00  }
0x134: {  	[sflag:s15] =	ssyncset.done $0x0  }
0x135: {  	s21 =	rddreg [dreg:$0xa];
	[sflag:s15] =	ssyncadd.s32 $0xFFFFC400  }
0x136: {  	[hbm4b:s21+s2] =	stream.linear.scatter [tilespmem:s8], [sflag:$0x7], $0x7800, $0x38;
	[tilespmem:$0x1F4C8] =	vst v63  }
0x137: {  	_ =	swait.ge [sflag:s10], $0x7800  }
0x138: {  	[sflag:s10] =	ssyncset.done $0x0  }
0x139: {  	s19 =	rddreg [dreg:$0x1e];
	[sflag:s10] =	ssyncadd.s32 $0xFFFF8800  }
0x13a: {  	[tilespmem:s11], [sflag:$0x2] =	stream.indirect.gather [spmem:s1], $0x80, s19, s6, $0xb8;
	[tilespmem:$0x1F4C8] =	vst v63  }
0x13b: {  	s21 =	rddreg [dreg:$0x1f]  }
0x13c: {  	[tilespmem:s20], [sflag:$0x2] =	stream.indirect.gather [spmem:s1], $0x80, s21, s6, $0xb8;
	[tilespmem:$0x1F4C8] =	vst v63  }
0x13d: {  	_ =	swait.ge [sflag:s14], $0x3C00  }
0x13e: {  	[sflag:s14] =	ssyncset.done $0x0  }
0x13f: {  	[sflag:s14] =	ssyncadd.s32 $0xFFFFC400  }
0x140: {  	_ =	swait.ge [sflag:s14], $0x3C00  }
0x141: {  	[sflag:s14] =	ssyncset.done $0x0  }
0x142: {  	s21 =	rddreg [dreg:$0xb];
	[sflag:s14] =	ssyncadd.s32 $0xFFFFC400  }
0x143: {  	[hbm4b:s21+s2] =	stream.linear.scatter [tilespmem:s9], [sflag:$0x8], $0x7800, $0x38;
	[tilespmem:$0x1F4C8] =	vst v63  }
0x144: {  	_ =	swait.ge [sflag:s12], $0x7800  }
0x145: {  	s19 =	sld [smem:$0x7F3]  }
0x146: {  	[sflag:s12] =	ssyncset.done $0x0  }
0x147: {  	s21 =	sld [smem:$0x7F4];
	[sflag:s12] =	ssyncadd.s32 $0xFFFF8800  }
0x148: {  	[tilespmem:s8], [sflag:$0x3] =	stream.indirect.gather [spmem:s1], $0x80, s19, s6, $0xb8;
	[tilespmem:$0x1F4C8] =	vst v63  }
0x149: {  	_ = 	snop  }
0x14a: {  	[tilespmem:s18], [sflag:$0x3] =	stream.indirect.gather [spmem:s1], $0x80, s21, s6, $0xb8;
	[tilespmem:$0x1F4C8] =	vst v63  }
0x14b: {  	_ =	swait.ge [sflag:s5], $0x3C00  }
0x14c: {  	[sflag:s5] =	ssyncset.done $0x0  }
0x14d: {  	[sflag:s5] =	ssyncadd.s32 $0xFFFFC400  }
0x14e: {  	_ =	swait.ge [sflag:s5], $0x3C00  }
0x14f: {  	[sflag:s5] =	ssyncset.done $0x0  }
0x150: {  	s21 =	rddreg [dreg:$0xc];
	[sflag:s5] =	ssyncadd.s32 $0xFFFFC400  }
0x151: {  	[hbm4b:s21+s2] =	stream.linear.scatter [tilespmem:s3], [sflag:$0x5], $0x7800, $0x38;
	[tilespmem:$0x1F4C8] =	vst v63  }
0x152: {  	_ =	swait.ge [sflag:s13], $0x7800  }
0x153: {  	s19 =	sld [smem:$0x7F5]  }
0x154: {  	[sflag:s13] =	ssyncset.done $0x0  }
0x155: {  	s21 =	sld [smem:$0x7F6];
	[sflag:s13] =	ssyncadd.s32 $0xFFFF8800  }
0x156: {  	[tilespmem:s9], [sflag:$0x4] =	stream.indirect.gather [spmem:s1], $0x80, s19, s6, $0xb8;
	[tilespmem:$0x1F4C8] =	vst v63  }
0x157: {  	_ = 	snop  }
0x158: {  	[tilespmem:s17], [sflag:$0x4] =	stream.indirect.gather [spmem:s1], $0x80, s21, s6, $0xb8;
	[tilespmem:$0x1F4C8] =	vst v63  }
0x159: {  	_ =	swait.ge [sflag:s16], $0x3C00  }
0x15a: {  	[sflag:s16] =	ssyncset.done $0x0  }
0x15b: {  	[sflag:s16] =	ssyncadd.s32 $0xFFFFC400  }
0x15c: {  	_ =	swait.ge [sflag:s16], $0x3C00  }
0x15d: {  	[sflag:s16] =	ssyncset.done $0x0  }
0x15e: {  	s21 =	rddreg [dreg:$0xd];
	[sflag:s16] =	ssyncadd.s32 $0xFFFFC400  }
0x15f: {  	[hbm4b:s21+s2] =	stream.linear.scatter [tilespmem:s11], [sflag:$0x6], $0x7800, $0x38;
	[tilespmem:$0x1F4C8] =	vst v63  }
0x160: {  	_ =	swait.ge [sflag:s4], $0x7800  }
0x161: {  	s19 =	sld [smem:$0x7F7]  }
0x162: {  	[sflag:s4] =	ssyncset.done $0x0  }
0x163: {  	s21 =	sld [smem:$0x7F8];
	[sflag:s4] =	ssyncadd.s32 $0xFFFF8800  }
0x164: {  	[tilespmem:s3], [sflag:$0x1] =	stream.indirect.gather [spmem:s1], $0x80, s19, s6, $0xb8;
	[tilespmem:$0x1F4C8] =	vst v63  }
0x165: {  	_ = 	snop  }
0x166: {  	[tilespmem:s7], [sflag:$0x1] =	stream.indirect.gather [spmem:s1], $0x80, s21, s6, $0xb8;
	[tilespmem:$0x1F4C8] =	vst v63  }
0x167: {  	_ =	swait.ge [sflag:s15], $0x3C00  }
0x168: {  	[sflag:s15] =	ssyncset.done $0x0  }
0x169: {  	[sflag:s15] =	ssyncadd.s32 $0xFFFFC400  }
0x16a: {  	_ =	swait.ge [sflag:s15], $0x3C00  }
0x16b: {  	[sflag:s15] =	ssyncset.done $0x0  }
0x16c: {  	s21 =	rddreg [dreg:$0xe];
	[sflag:s15] =	ssyncadd.s32 $0xFFFFC400  }
0x16d: {  	[hbm4b:s21+s2] =	stream.linear.scatter [tilespmem:s8], [sflag:$0x7], $0x7800, $0x38;
	[tilespmem:$0x1F4C8] =	vst v63  }
0x16e: {  	_ =	swait.ge [sflag:s10], $0x7800  }
0x16f: {  	s19 =	sld [smem:$0x7F9]  }
0x170: {  	[sflag:s10] =	ssyncset.done $0x0  }
0x171: {  	s21 =	sld [smem:$0x7FA];
	[sflag:s10] =	ssyncadd.s32 $0xFFFF8800  }
0x172: {  	[tilespmem:s11], [sflag:$0x2] =	stream.indirect.gather [spmem:s1], $0x80, s19, s6, $0xb8;
	[tilespmem:$0x1F4C8] =	vst v63  }
0x173: {  	_ = 	snop  }
0x174: {  	[tilespmem:s20], [sflag:$0x2] =	stream.indirect.gather [spmem:s1], $0x80, s21, s6, $0xb8;
	[tilespmem:$0x1F4C8] =	vst v63  }
0x175: {  	_ =	swait.ge [sflag:s14], $0x3C00  }
0x176: {  	[sflag:s14] =	ssyncset.done $0x0  }
0x177: {  	[sflag:s14] =	ssyncadd.s32 $0xFFFFC400  }
0x178: {  	_ =	swait.ge [sflag:s14], $0x3C00  }
0x179: {  	[sflag:s14] =	ssyncset.done $0x0  }
0x17a: {  	s21 =	rddreg [dreg:$0xf];
	[sflag:s14] =	ssyncadd.s32 $0xFFFFC400  }
0x17b: {  	[hbm4b:s21+s2] =	stream.linear.scatter [tilespmem:s9], [sflag:$0x8], $0x7800, $0x38;
	[tilespmem:$0x1F4C8] =	vst v63  }
0x17c: {  	_ =	swait.ge [sflag:s12], $0x7800  }
0x17d: {  	s19 =	sld [smem:$0x7FB]  }
0x17e: {  	[sflag:s12] =	ssyncset.done $0x0  }
0x17f: {  	s21 =	sld [smem:$0x7FC];
	[sflag:s12] =	ssyncadd.s32 $0xFFFF8800  }
0x180: {  	[tilespmem:s8], [sflag:$0x3] =	stream.indirect.gather [spmem:s1], $0x80, s19, s6, $0xb8;
	[tilespmem:$0x1F4C8] =	vst v63  }
0x181: {  	_ = 	snop  }
0x182: {  	[tilespmem:s18], [sflag:$0x3] =	stream.indirect.gather [spmem:s1], $0x80, s21, s6, $0xb8;
	[tilespmem:$0x1F4C8] =	vst v63  }
0x183: {  	_ =	swait.ge [sflag:s5], $0x3C00  }
0x184: {  	[sflag:s5] =	ssyncset.done $0x0  }
0x185: {  	[sflag:s5] =	ssyncadd.s32 $0xFFFFC400  }
0x186: {  	_ =	swait.ge [sflag:s5], $0x3C00  }
0x187: {  	[sflag:s5] =	ssyncset.done $0x0  }
0x188: {  	s21 =	rddreg [dreg:$0x10];
	[sflag:s5] =	ssyncadd.s32 $0xFFFFC400  }
0x189: {  	[hbm4b:s21+s2] =	stream.linear.scatter [tilespmem:s3], [sflag:$0x5], $0x7800, $0x38;
	[tilespmem:$0x1F4C8] =	vst v63  }
0x18a: {  	_ =	swait.ge [sflag:s13], $0x7800  }
0x18b: {  	s21 =	sld [smem:$0x7FD]  }
0x18c: {  	[sflag:s13] =	ssyncset.done $0x0  }
0x18d: {  	[sflag:s13] =	ssyncadd.s32 $0xFFFF8800  }
0x18e: {  	[tilespmem:s9], [sflag:$0x4] =	stream.indirect.gather [spmem:s1], $0x80, s21, s6, $0xb8;
	[tilespmem:$0x1F4C8] =	vst v63  }
0x18f: {  	_ = 	snop  }
0x190: {  	[tilespmem:s17], [sflag:$0x4] =	stream.indirect.gather [spmem:s1], $0x80, s22, s6, $0xb8;
	[tilespmem:$0x1F4C8] =	vst v63  }
0x191: {  	_ =	swait.ge [sflag:s16], $0x3C00  }
0x192: {  	[sflag:s16] =	ssyncset.done $0x0  }
0x193: {  	[sflag:s16] =	ssyncadd.s32 $0xFFFFC400  }
0x194: {  	_ =	swait.ge [sflag:s16], $0x3C00  }
0x195: {  	[sflag:s16] =	ssyncset.done $0x0  }
0x196: {  	s21 =	rddreg [dreg:$0x11];
	[sflag:s16] =	ssyncadd.s32 $0xFFFFC400  }
0x197: {  	[hbm4b:s21+s2] =	stream.linear.scatter [tilespmem:s11], [sflag:$0x6], $0x7800, $0x38;
	[tilespmem:$0x1F4C8] =	vst v63  }
0x198: {  	_ =	swait.ge [sflag:s4], $0x7800  }
0x199: {  	[sflag:s4] =	ssyncset.done $0x0  }
0x19a: {  	s21 =	simm.s32 $0xB40;
	[sflag:s4] =	ssyncadd.s32 $0xFFFF8800  }
0x19b: {  	[tilespmem:s3], [sflag:$0x1] =	stream.indirect.gather [spmem:s1], $0x80, s21, s6, $0xb8;
	[tilespmem:$0x1F4C8] =	vst v63  }
0x19c: {  	s21 =	simm.s32 $0xBB8  }
0x19d: {  	[tilespmem:s7], [sflag:$0x1] =	stream.indirect.gather [spmem:s1], $0x80, s21, s6, $0xb8;
	[tilespmem:$0x1F4C8] =	vst v63  }
0x19e: {  	_ =	swait.ge [sflag:s15], $0x3C00  }
0x19f: {  	[sflag:s15] =	ssyncset.done $0x0  }
0x1a0: {  	[sflag:s15] =	ssyncadd.s32 $0xFFFFC400  }
0x1a1: {  	_ =	swait.ge [sflag:s15], $0x3C00  }
0x1a2: {  	[sflag:s15] =	ssyncset.done $0x0  }
0x1a3: {  	s21 =	rddreg [dreg:$0x12];
	[sflag:s15] =	ssyncadd.s32 $0xFFFFC400  }
0x1a4: {  	[hbm4b:s21+s2] =	stream.linear.scatter [tilespmem:s8], [sflag:$0x7], $0x7800, $0x38;
	[tilespmem:$0x1F4C8] =	vst v63  }
0x1a5: {  	_ =	swait.ge [sflag:s14], $0x3C00  }
0x1a6: {  	[sflag:s14] =	ssyncset.done $0x0  }
0x1a7: {  	[sflag:s14] =	ssyncadd.s32 $0xFFFFC400  }
0x1a8: {  	_ =	swait.ge [sflag:s14], $0x3C00  }
0x1a9: {  	[sflag:s14] =	ssyncset.done $0x0  }
0x1aa: {  	s21 =	rddreg [dreg:$0x13];
	[sflag:s14] =	ssyncadd.s32 $0xFFFFC400  }
0x1ab: {  	[hbm4b:s21+s2] =	stream.linear.scatter [tilespmem:s9], [sflag:$0x8], $0x7800, $0x38;
	[tilespmem:$0x1F4C8] =	vst v63  }
0x1ac: {  	_ =	swait.ge [sflag:s5], $0x3C00  }
0x1ad: {  	[sflag:s5] =	ssyncset.done $0x0  }
0x1ae: {  	[sflag:s5] =	ssyncadd.s32 $0xFFFFC400  }
0x1af: {  	_ =	swait.ge [sflag:s5], $0x3C00  }
0x1b0: {  	[sflag:s5] =	ssyncset.done $0x0  }
0x1b1: {  	s21 =	rddreg [dreg:$0x14];
	[sflag:s5] =	ssyncadd.s32 $0xFFFFC400  }
0x1b2: {  	[hbm4b:s21+s2] =	stream.linear.scatter [tilespmem:s3], [sflag:$0x5], $0x7800, $0x38;
	[tilespmem:$0x1F4C8] =	vst v63  }
0x1b3: {  	_ =	swait.ge [sflag:s10], $0x7800  }
0x1b4: {  	[sflag:s10] =	ssyncset.done $0x0  }
0x1b5: {  	[sflag:s10] =	ssyncadd.s32 $0xFFFF8800  }
0x1b6: {  	_ =	swait.ge [sflag:s12], $0x7800  }
0x1b7: {  	[sflag:s12] =	ssyncset.done $0x0  }
0x1b8: {  	[sflag:s12] =	ssyncadd.s32 $0xFFFF8800  }
0x1b9: {  	_ =	swait.ge [sflag:s13], $0x7800  }
0x1ba: {  	[sflag:s13] =	ssyncset.done $0x0  }
0x1bb: {  	[sflag:s13] =	ssyncadd.s32 $0xFFFF8800  }
0x1bc: {  	_ =	swait.ge [sflag:s4], $0x7800  }
0x1bd: {  	[sflag:s4] =	ssyncset.done $0x0  }
0x1be: {  	s0 =	sadd.s32 $0xFFFFFFFF, s0;
	[sflag:s4] =	ssyncadd.s32 $0xFFFF8800  }
0x1bf: {  	[tilespmem:s31], [sflag:$0x1] =	stream.indirect.gather @!p0 [spmem:s1], $0x80, s28, s30, $0xb8;
	[tilespmem:$0x1F4C8] =	vst v63  }
0x1c0: {  	p2 =	sne.s32 s0, $0x0;
	_ =	swait.ge @!p0 [sflag:s29], $0x2800  }
.Ltmp2:
0x1c1: {  	[sflag:s29] =	ssyncset.done @!p0 $0x0;
	(pc) =	sbr.rel @p2 .LBB2_4-.Ltmp2, $4  }
0x1c2: {  	s19 =	rddreg [dreg:$0x15];
	[sflag:s29] =	ssyncadd.s32 @!p0 $0xFFFFD800  }
0x1c3: {  	[hbm4b:s19+s25] =	stream.linear.scatter @!p0 [tilespmem:s31], [sflag:$0x9], $0x2800, $0x38;
	[tilespmem:$0x1F4C8] =	vst v63  }
0x1c4: {  	_ =	swait.ge @!p0 [sflag:s24], $0x2800  }
0x1c5: {  	s19 =	rddreg [dreg:$0x5];
	[sflag:s24] =	ssyncset.done @!p0 $0x0  }
0x1c6: {  	s25 =	rddreg [dreg:$0x4]  }
0x1c7: {  	s22 =	simm.s32 $0xB40;
	s30 =	simm.s32 $0xBB8;
	s31 =	simm.s32 $0xAC8  }
.LBB2_6:
0x1c8: {  	p1 =	por p0, !p1;
	s0 =	simm.s32 @!p0 $0x0  }
0x1c9: {  	s21 =	simm.s32 @!p0 $0xC80;
	[sflag:s24] =	ssyncadd.s32 @!p1 $0xFFFFD800;
	s24 =	simm.s32 @!p0 $0x9  }
0x1ca: {  	[tilespmem:s21], [sflag:$0x9] =	stream.linear.gather @!p0 [hbm4b:s19+s0], $0x480, $0x38;
	[tilespmem:$0x1F4C8] =	vst v63  }
0x1cb: {  	_ =	swait.ge @!p0 [sflag:s24], $0x480  }
0x1cc: {  	[sflag:s24] =	ssyncset.done @!p0 $0x0  }
0x1cd: {  	[sflag:s24] =	ssyncadd.s32 @!p0 $0xFFFFFB80  }
0x1ce: {  	[spmem:s1] =	stream.linear.scatter @!p0 [tilespmem:s21], [sflag:$0x9], $0x480, $0x38;
	[tilespmem:$0x1F4C8] =	vst v63  }
0x1cf: {  	_ =	swait.ge @!p0 [sflag:s24], $0x480  }
0x1d0: {  	[sflag:s24] =	ssyncset.done @!p0 $0x0  }
0x1d1: {  	[sflag:s24] =	ssyncadd.s32 @!p0 $0xFFFFFB80  }
0x1d2: {  	[bflag:$0x0] =	sbarrier.arrive $0xFFFF  }
0x1d3: {  	s29 =	rddreg [dreg:$0x6]  }
0x1d4: {  	[tilespmem:s2], [sflag:$0x9] =	stream.linear.gather [hbm4b:s29+s2], $0xC30, $0x38;
	[tilespmem:$0x1F4C8] =	vst v63  }
0x1d5: {  	_ =	swait.ge [sflag:s23], $0xC30  }
0x1d6: {  	[sflag:s23] =	ssyncset.done $0x0  }
0x1d7: {  	s19 =	rddreg [dreg:$0x7];
	[sflag:s23] =	ssyncadd.s32 $0xFFFFF3D0;
	s23 =	simm.s32 @!p0 $0xC30  }
0x1d8: {  	[tilespmem:s23], [sflag:$0x9] =	stream.linear.gather @!p0 [hbm4b:s19+s0], $0x50, $0x38;
	[tilespmem:$0x1F4C8] =	vst v63  }
0x1d9: {  	_ =	swait.ge @!p0 [sflag:s24], $0x50  }
0x1da: {  	[sflag:s24] =	ssyncset.done @!p0 $0x0  }
0x1db: {  	[sflag:s24] =	ssyncadd.s32 @!p0 $0xFFFFFFB0  }
0x1dc: {  	[tilespmem:s3], [sflag:$0x1] =	stream.indirect.gather [spmem:s1], $0x80, s2, s6, $0xb8;
	[tilespmem:$0x1F4C8] =	vst v63  }
0x1dd: {  	_ = 	snop  }
0x1de: {  	[tilespmem:s7], [sflag:$0x1] =	stream.indirect.gather [spmem:s1], $0x80, s6, s6, $0xb8;
	[tilespmem:$0x1F4C8] =	vst v63  }
0x1df: {  	s21 =	rddreg [dreg:$0x16]  }
0x1e0: {  	[tilespmem:s11], [sflag:$0x2] =	stream.indirect.gather [spmem:s1], $0x80, s21, s6, $0xb8;
	[tilespmem:$0x1F4C8] =	vst v63  }
0x1e1: {  	s26 =	rddreg [dreg:$0x17]  }
0x1e2: {  	[tilespmem:s20], [sflag:$0x2] =	stream.indirect.gather [spmem:s1], $0x80, s26, s6, $0xb8;
	[tilespmem:$0x1F4C8] =	vst v63  }
0x1e3: {  	s28 =	rddreg [dreg:$0x18]  }
0x1e4: {  	[tilespmem:s8], [sflag:$0x3] =	stream.indirect.gather [spmem:s1], $0x80, s28, s6, $0xb8;
	[tilespmem:$0x1F4C8] =	vst v63  }
0x1e5: {  	s29 =	rddreg [dreg:$0x19]  }
0x1e6: {  	[tilespmem:s18], [sflag:$0x3] =	stream.indirect.gather [spmem:s1], $0x80, s29, s6, $0xb8;
	[tilespmem:$0x1F4C8] =	vst v63  }
0x1e7: {  	_ =	swait.ge [sflag:s5], $0x3C00  }
0x1e8: {  	[sflag:s5] =	ssyncset.done $0x0  }
0x1e9: {  	[sflag:s5] =	ssyncadd.s32 $0xFFFFC400  }
0x1ea: {  	_ =	swait.ge [sflag:s5], $0x3C00  }
0x1eb: {  	[sflag:s5] =	ssyncset.done $0x0  }
0x1ec: {  	s26 =	rddreg [dreg:$0x8];
	[sflag:s5] =	ssyncadd.s32 $0xFFFFC400  }
0x1ed: {  	[hbm4b:s26+s2] =	stream.linear.scatter [tilespmem:s3], [sflag:$0x5], $0x7800, $0x38;
	[tilespmem:$0x1F4C8] =	vst v63  }
0x1ee: {  	s28 =	rddreg [dreg:$0x1a]  }
0x1ef: {  	[tilespmem:s9], [sflag:$0x4] =	stream.indirect.gather [spmem:s1], $0x80, s28, s6, $0xb8;
	[tilespmem:$0x1F4C8] =	vst v63  }
0x1f0: {  	s29 =	rddreg [dreg:$0x1b]  }
0x1f1: {  	[tilespmem:s17], [sflag:$0x4] =	stream.indirect.gather [spmem:s1], $0x80, s29, s6, $0xb8;
	[tilespmem:$0x1F4C8] =	vst v63  }
0x1f2: {  	_ =	swait.ge [sflag:s16], $0x3C00  }
0x1f3: {  	[sflag:s16] =	ssyncset.done $0x0  }
0x1f4: {  	[sflag:s16] =	ssyncadd.s32 $0xFFFFC400  }
0x1f5: {  	_ =	swait.ge [sflag:s16], $0x3C00  }
0x1f6: {  	[sflag:s16] =	ssyncset.done $0x0  }
0x1f7: {  	s26 =	rddreg [dreg:$0x9];
	[sflag:s16] =	ssyncadd.s32 $0xFFFFC400  }
0x1f8: {  	[hbm4b:s26+s2] =	stream.linear.scatter [tilespmem:s11], [sflag:$0x6], $0x7800, $0x38;
	[tilespmem:$0x1F4C8] =	vst v63  }
0x1f9: {  	_ =	swait.ge [sflag:s4], $0x7800  }
0x1fa: {  	[sflag:s4] =	ssyncset.done $0x0  }
0x1fb: {  	s28 =	rddreg [dreg:$0x1c];
	[sflag:s4] =	ssyncadd.s32 $0xFFFF8800  }
0x1fc: {  	[tilespmem:s3], [sflag:$0x1] =	stream.indirect.gather [spmem:s1], $0x80, s28, s6, $0xb8;
	[tilespmem:$0x1F4C8] =	vst v63  }
0x1fd: {  	s29 =	rddreg [dreg:$0x1d]  }
0x1fe: {  	[tilespmem:s7], [sflag:$0x1] =	stream.indirect.gather [spmem:s1], $0x80, s29, s6, $0xb8;
	[tilespmem:$0x1F4C8] =	vst v63  }
0x1ff: {  	_ =	swait.ge [sflag:s15], $0x3C00  }
0x200: {  	[sflag:s15] =	ssyncset.done $0x0  }
0x201: {  	[sflag:s15] =	ssyncadd.s32 $0xFFFFC400  }
0x202: {  	_ =	swait.ge [sflag:s15], $0x3C00  }
0x203: {  	[sflag:s15] =	ssyncset.done $0x0  }
0x204: {  	s26 =	rddreg [dreg:$0xa];
	[sflag:s15] =	ssyncadd.s32 $0xFFFFC400  }
0x205: {  	[hbm4b:s26+s2] =	stream.linear.scatter [tilespmem:s8], [sflag:$0x7], $0x7800, $0x38;
	[tilespmem:$0x1F4C8] =	vst v63  }
0x206: {  	_ =	swait.ge [sflag:s10], $0x7800  }
0x207: {  	[sflag:s10] =	ssyncset.done $0x0  }
0x208: {  	s28 =	rddreg [dreg:$0x1e];
	[sflag:s10] =	ssyncadd.s32 $0xFFFF8800  }
0x209: {  	[tilespmem:s11], [sflag:$0x2] =	stream.indirect.gather [spmem:s1], $0x80, s28, s6, $0xb8;
	[tilespmem:$0x1F4C8] =	vst v63  }
0x20a: {  	s29 =	rddreg [dreg:$0x1f]  }
0x20b: {  	[tilespmem:s20], [sflag:$0x2] =	stream.indirect.gather [spmem:s1], $0x80, s29, s6, $0xb8;
	[tilespmem:$0x1F4C8] =	vst v63  }
0x20c: {  	_ =	swait.ge [sflag:s14], $0x3C00  }
0x20d: {  	[sflag:s14] =	ssyncset.done $0x0  }
0x20e: {  	[sflag:s14] =	ssyncadd.s32 $0xFFFFC400  }
0x20f: {  	_ =	swait.ge [sflag:s14], $0x3C00  }
0x210: {  	[sflag:s14] =	ssyncset.done $0x0  }
0x211: {  	s26 =	rddreg [dreg:$0xb];
	[sflag:s14] =	ssyncadd.s32 $0xFFFFC400  }
0x212: {  	[hbm4b:s26+s2] =	stream.linear.scatter [tilespmem:s9], [sflag:$0x8], $0x7800, $0x38;
	[tilespmem:$0x1F4C8] =	vst v63  }
0x213: {  	_ =	swait.ge [sflag:s12], $0x7800  }
0x214: {  	s28 =	sld [smem:$0x7F3]  }
0x215: {  	[sflag:s12] =	ssyncset.done $0x0  }
0x216: {  	s29 =	sld [smem:$0x7F4];
	[sflag:s12] =	ssyncadd.s32 $0xFFFF8800  }
0x217: {  	[tilespmem:s8], [sflag:$0x3] =	stream.indirect.gather [spmem:s1], $0x80, s28, s6, $0xb8;
	[tilespmem:$0x1F4C8] =	vst v63  }
0x218: {  	_ = 	snop  }
0x219: {  	[tilespmem:s18], [sflag:$0x3] =	stream.indirect.gather [spmem:s1], $0x80, s29, s6, $0xb8;
	[tilespmem:$0x1F4C8] =	vst v63  }
0x21a: {  	_ =	swait.ge [sflag:s5], $0x3C00  }
0x21b: {  	[sflag:s5] =	ssyncset.done $0x0  }
0x21c: {  	[sflag:s5] =	ssyncadd.s32 $0xFFFFC400  }
0x21d: {  	_ =	swait.ge [sflag:s5], $0x3C00  }
0x21e: {  	[sflag:s5] =	ssyncset.done $0x0  }
0x21f: {  	s26 =	rddreg [dreg:$0xc];
	[sflag:s5] =	ssyncadd.s32 $0xFFFFC400  }
0x220: {  	[hbm4b:s26+s2] =	stream.linear.scatter [tilespmem:s3], [sflag:$0x5], $0x7800, $0x38;
	[tilespmem:$0x1F4C8] =	vst v63  }
0x221: {  	_ =	swait.ge [sflag:s13], $0x7800  }
0x222: {  	s28 =	sld [smem:$0x7F5]  }
0x223: {  	[sflag:s13] =	ssyncset.done $0x0  }
0x224: {  	s29 =	sld [smem:$0x7F6];
	[sflag:s13] =	ssyncadd.s32 $0xFFFF8800  }
0x225: {  	[tilespmem:s9], [sflag:$0x4] =	stream.indirect.gather [spmem:s1], $0x80, s28, s6, $0xb8;
	[tilespmem:$0x1F4C8] =	vst v63  }
0x226: {  	_ = 	snop  }
0x227: {  	[tilespmem:s17], [sflag:$0x4] =	stream.indirect.gather [spmem:s1], $0x80, s29, s6, $0xb8;
	[tilespmem:$0x1F4C8] =	vst v63  }
0x228: {  	_ =	swait.ge [sflag:s16], $0x3C00  }
0x229: {  	[sflag:s16] =	ssyncset.done $0x0  }
0x22a: {  	[sflag:s16] =	ssyncadd.s32 $0xFFFFC400  }
0x22b: {  	_ =	swait.ge [sflag:s16], $0x3C00  }
0x22c: {  	[sflag:s16] =	ssyncset.done $0x0  }
0x22d: {  	s26 =	rddreg [dreg:$0xd];
	[sflag:s16] =	ssyncadd.s32 $0xFFFFC400  }
0x22e: {  	[hbm4b:s26+s2] =	stream.linear.scatter [tilespmem:s11], [sflag:$0x6], $0x7800, $0x38;
	[tilespmem:$0x1F4C8] =	vst v63  }
0x22f: {  	_ =	swait.ge [sflag:s4], $0x7800  }
0x230: {  	s28 =	sld [smem:$0x7F7]  }
0x231: {  	[sflag:s4] =	ssyncset.done $0x0  }
0x232: {  	s29 =	sld [smem:$0x7F8];
	[sflag:s4] =	ssyncadd.s32 $0xFFFF8800  }
0x233: {  	[tilespmem:s3], [sflag:$0x1] =	stream.indirect.gather [spmem:s1], $0x80, s28, s6, $0xb8;
	[tilespmem:$0x1F4C8] =	vst v63  }
0x234: {  	_ = 	snop  }
0x235: {  	[tilespmem:s7], [sflag:$0x1] =	stream.indirect.gather [spmem:s1], $0x80, s29, s6, $0xb8;
	[tilespmem:$0x1F4C8] =	vst v63  }
0x236: {  	_ =	swait.ge [sflag:s15], $0x3C00  }
0x237: {  	[sflag:s15] =	ssyncset.done $0x0  }
0x238: {  	[sflag:s15] =	ssyncadd.s32 $0xFFFFC400  }
0x239: {  	_ =	swait.ge [sflag:s15], $0x3C00  }
0x23a: {  	[sflag:s15] =	ssyncset.done $0x0  }
0x23b: {  	s26 =	rddreg [dreg:$0xe];
	[sflag:s15] =	ssyncadd.s32 $0xFFFFC400  }
0x23c: {  	[hbm4b:s26+s2] =	stream.linear.scatter [tilespmem:s8], [sflag:$0x7], $0x7800, $0x38;
	[tilespmem:$0x1F4C8] =	vst v63  }
0x23d: {  	_ =	swait.ge [sflag:s10], $0x7800  }
0x23e: {  	s28 =	sld [smem:$0x7F9]  }
0x23f: {  	[sflag:s10] =	ssyncset.done $0x0  }
0x240: {  	s29 =	sld [smem:$0x7FA];
	[sflag:s10] =	ssyncadd.s32 $0xFFFF8800  }
0x241: {  	[tilespmem:s11], [sflag:$0x2] =	stream.indirect.gather [spmem:s1], $0x80, s28, s6, $0xb8;
	[tilespmem:$0x1F4C8] =	vst v63  }
0x242: {  	_ = 	snop  }
0x243: {  	[tilespmem:s20], [sflag:$0x2] =	stream.indirect.gather [spmem:s1], $0x80, s29, s6, $0xb8;
	[tilespmem:$0x1F4C8] =	vst v63  }
0x244: {  	_ =	swait.ge [sflag:s14], $0x3C00  }
0x245: {  	[sflag:s14] =	ssyncset.done $0x0  }
0x246: {  	[sflag:s14] =	ssyncadd.s32 $0xFFFFC400  }
0x247: {  	_ =	swait.ge [sflag:s14], $0x3C00  }
0x248: {  	[sflag:s14] =	ssyncset.done $0x0  }
0x249: {  	s26 =	rddreg [dreg:$0xf];
	[sflag:s14] =	ssyncadd.s32 $0xFFFFC400  }
0x24a: {  	[hbm4b:s26+s2] =	stream.linear.scatter [tilespmem:s9], [sflag:$0x8], $0x7800, $0x38;
	[tilespmem:$0x1F4C8] =	vst v63  }
0x24b: {  	_ =	swait.ge [sflag:s12], $0x7800  }
0x24c: {  	s28 =	sld [smem:$0x7FB]  }
0x24d: {  	[sflag:s12] =	ssyncset.done $0x0  }
0x24e: {  	s29 =	sld [smem:$0x7FC];
	[sflag:s12] =	ssyncadd.s32 $0xFFFF8800  }
0x24f: {  	[tilespmem:s8], [sflag:$0x3] =	stream.indirect.gather [spmem:s1], $0x80, s28, s6, $0xb8;
	[tilespmem:$0x1F4C8] =	vst v63  }
0x250: {  	_ = 	snop  }
0x251: {  	[tilespmem:s18], [sflag:$0x3] =	stream.indirect.gather [spmem:s1], $0x80, s29, s6, $0xb8;
	[tilespmem:$0x1F4C8] =	vst v63  }
0x252: {  	_ =	swait.ge [sflag:s5], $0x3C00  }
0x253: {  	[sflag:s5] =	ssyncset.done $0x0  }
0x254: {  	[sflag:s5] =	ssyncadd.s32 $0xFFFFC400  }
0x255: {  	_ =	swait.ge [sflag:s5], $0x3C00  }
0x256: {  	[sflag:s5] =	ssyncset.done $0x0  }
0x257: {  	s21 =	rddreg [dreg:$0x10];
	[sflag:s5] =	ssyncadd.s32 $0xFFFFC400  }
0x258: {  	[hbm4b:s21+s2] =	stream.linear.scatter [tilespmem:s3], [sflag:$0x5], $0x7800, $0x38;
	[tilespmem:$0x1F4C8] =	vst v63  }
0x259: {  	_ =	swait.ge [sflag:s13], $0x7800  }
0x25a: {  	s26 =	sld [smem:$0x7FD]  }
0x25b: {  	[sflag:s13] =	ssyncset.done $0x0  }
0x25c: {  	[sflag:s13] =	ssyncadd.s32 $0xFFFF8800  }
0x25d: {  	[tilespmem:s9], [sflag:$0x4] =	stream.indirect.gather [spmem:s1], $0x80, s26, s6, $0xb8;
	[tilespmem:$0x1F4C8] =	vst v63  }
0x25e: {  	_ = 	snop  }
0x25f: {  	[tilespmem:s17], [sflag:$0x4] =	stream.indirect.gather [spmem:s1], $0x80, s31, s6, $0xb8;
	[tilespmem:$0x1F4C8] =	vst v63  }
0x260: {  	_ =	swait.ge [sflag:s16], $0x3C00  }
0x261: {  	[sflag:s16] =	ssyncset.done $0x0  }
0x262: {  	[sflag:s16] =	ssyncadd.s32 $0xFFFFC400  }
0x263: {  	_ =	swait.ge [sflag:s16], $0x3C00  }
0x264: {  	[sflag:s16] =	ssyncset.done $0x0  }
0x265: {  	s28 =	rddreg [dreg:$0x11];
	[sflag:s16] =	ssyncadd.s32 $0xFFFFC400  }
0x266: {  	[hbm4b:s28+s2] =	stream.linear.scatter [tilespmem:s11], [sflag:$0x6], $0x7800, $0x38;
	[tilespmem:$0x1F4C8] =	vst v63  }
0x267: {  	_ =	swait.ge [sflag:s4], $0x7800  }
0x268: {  	[sflag:s4] =	ssyncset.done $0x0  }
0x269: {  	[sflag:s4] =	ssyncadd.s32 $0xFFFF8800  }
0x26a: {  	[tilespmem:s3], [sflag:$0x1] =	stream.indirect.gather [spmem:s1], $0x80, s22, s6, $0xb8;
	[tilespmem:$0x1F4C8] =	vst v63  }
0x26b: {  	_ = 	snop  }
0x26c: {  	[tilespmem:s7], [sflag:$0x1] =	stream.indirect.gather [spmem:s1], $0x80, s30, s6, $0xb8;
	[tilespmem:$0x1F4C8] =	vst v63  }
0x26d: {  	_ =	swait.ge [sflag:s15], $0x3C00  }
0x26e: {  	[sflag:s15] =	ssyncset.done $0x0  }
0x26f: {  	[sflag:s15] =	ssyncadd.s32 $0xFFFFC400  }
0x270: {  	_ =	swait.ge [sflag:s15], $0x3C00  }
0x271: {  	[sflag:s15] =	ssyncset.done $0x0  }
0x272: {  	s29 =	rddreg [dreg:$0x12];
	[sflag:s15] =	ssyncadd.s32 $0xFFFFC400  }
0x273: {  	[hbm4b:s29+s2] =	stream.linear.scatter [tilespmem:s8], [sflag:$0x7], $0x7800, $0x38;
	[tilespmem:$0x1F4C8] =	vst v63  }
0x274: {  	_ =	swait.ge [sflag:s14], $0x3C00  }
0x275: {  	[sflag:s14] =	ssyncset.done $0x0  }
0x276: {  	[sflag:s14] =	ssyncadd.s32 $0xFFFFC400  }
0x277: {  	_ =	swait.ge [sflag:s14], $0x3C00  }
0x278: {  	[sflag:s14] =	ssyncset.done $0x0  }
0x279: {  	s30 =	rddreg [dreg:$0x13];
	[sflag:s14] =	ssyncadd.s32 $0xFFFFC400  }
0x27a: {  	[hbm4b:s30+s2] =	stream.linear.scatter [tilespmem:s9], [sflag:$0x8], $0x7800, $0x38;
	[tilespmem:$0x1F4C8] =	vst v63  }
0x27b: {  	_ =	swait.ge [sflag:s5], $0x3C00  }
0x27c: {  	[sflag:s5] =	ssyncset.done $0x0  }
0x27d: {  	[sflag:s5] =	ssyncadd.s32 $0xFFFFC400  }
0x27e: {  	_ =	swait.ge [sflag:s5], $0x3C00  }
0x27f: {  	[sflag:s5] =	ssyncset.done $0x0  }
0x280: {  	s31 =	rddreg [dreg:$0x14];
	[sflag:s5] =	ssyncadd.s32 $0xFFFFC400  }
0x281: {  	[hbm4b:s31+s2] =	stream.linear.scatter [tilespmem:s3], [sflag:$0x5], $0x7800, $0x38;
	[tilespmem:$0x1F4C8] =	vst v63  }
0x282: {  	_ =	swait.ge [sflag:s10], $0x7800  }
0x283: {  	[sflag:s10] =	ssyncset.done $0x0  }
0x284: {  	[sflag:s10] =	ssyncadd.s32 $0xFFFF8800  }
0x285: {  	_ =	swait.ge [sflag:s12], $0x7800  }
0x286: {  	[sflag:s12] =	ssyncset.done $0x0  }
0x287: {  	[sflag:s12] =	ssyncadd.s32 $0xFFFF8800  }
0x288: {  	_ =	swait.ge [sflag:s13], $0x7800  }
0x289: {  	[sflag:s13] =	ssyncset.done $0x0  }
0x28a: {  	[sflag:s13] =	ssyncadd.s32 $0xFFFF8800  }
0x28b: {  	_ =	swait.ge [sflag:s4], $0x7800  }
0x28c: {  	[sflag:s4] =	ssyncset.done $0x0  }
0x28d: {  	s2 =	simm.s32 @!p0 $0x50;
	s3 =	simm.s32 @!p0 $0x14C8;
	[sflag:s4] =	ssyncadd.s32 $0xFFFF8800  }
0x28e: {  	[tilespmem:s3], [sflag:$0x1] =	stream.indirect.gather @!p0 [spmem:s1], $0x80, s23, s2, $0xb8;
	[tilespmem:$0x1F4C8] =	vst v63  }
0x28f: {  	s1 =	simm.s32 @!p0 $0x1  }
0x290: {  	_ =	swait.ge @!p0 [sflag:s1], $0x2800  }
0x291: {  	[sflag:s1] =	ssyncset.done @!p0 $0x0  }
0x292: {  	s2 =	rddreg [dreg:$0x15];
	[sflag:s1] =	ssyncadd.s32 @!p0 $0xFFFFD800  }
0x293: {  	[hbm4b:s2+s0] =	stream.linear.scatter @!p0 [tilespmem:s3], [sflag:$0x9], $0x2800, $0x38;
	[tilespmem:$0x1F4C8] =	vst v63  }
0x294: {  	_ =	swait.ge @!p0 [sflag:s24], $0x2800  }
0x295: {  	[sflag:s24] =	ssyncset.done @!p0 $0x0  }
0x296: {  	[sflag:s24] =	ssyncadd.s32 @!p0 $0xFFFFD800  }
0x297: {  	_ =	sfence.sel $0x180000  }
0x298: {  	[bflag:$0x0] =	sbarrier.arrive $0xFFFF  }
0x299: {  	_ =	strace $0x90000047  }
0x29a: {  	s0 =	sadd.s32 @!p0 $0x100000, s25;
	[bflag:$0x2] =	sbarrier.arrive $0xFFFF  }
0x29b: {  	[sflag:s0] =	ssyncadd.tile.s32 @!p0 $0x1;
	_ =	shalt  }
.LBB2_1:
.Ltmp3:
0x29c: {  	(pc) =	sbr.rel .LBB2_6-.Ltmp3, $2  }
0x29d: {  	_ =	sdelay $0x2  }
0x29e: {  	_ = 	snop  }
.LBB2_3:
.Ltmp4:
0x29f: {  	(pc) =	sbr.rel .LBB2_6-.Ltmp4, $3  }
0x2a0: {  	_ =	sdelay $0x1  }
0x2a1: {  	s25 =	rddreg [dreg:$0x4]  }
0x2a2: {  	s22 =	simm.s32 $0xB40;
	s30 =	simm.s32 $0xBB8;
	s31 =	simm.s32 $0xAC8  }
.Lfunc_end2:
_tile_overlayer_lowered:
.L_overlay_start_2:
0x2a3: {  	(tag) =	ssettag $0x2  }
0x2a4: {  	s0 =	rddreg [dreg:$0x0];
	s2 =	stileid.u32  }
0x2a5: {  	s1 =	rddreg [dreg:$0x1];
	p0 =	sne.s32 s2, $0x0  }
0x2a6: {  	s3 =	rddreg [dreg:$0x2];
	[bflag:$0x3] =	sbarrier.arrive $0xFFFF;
	s2 =	simm.s32 @!p0 $0x1C09  }
0x2a7: {  	[timem:s3], [sflag:s2] =	dma.local @!p0 [hbm:s0], s1  }
0x2a8: {  	s0 =	simm.s32 @!p0 $0x9  }
0x2a9: {  	_ =	swait.ge @!p0 [sflag:s0], s1  }
0x2aa: {  	s1 =	ssub.s32 @!p0 $0x0, s1;
	[sflag:s0] =	ssyncset.done @!p0 $0x0  }
0x2ab: {  	[sflag:s0] =	ssyncadd.s32 @!p0 s1  }
0x2ac: {  	[bflag:$0x3] =	sbarrier.arrive $0xFFFF  }
0x2ad: {  	_ =	shalt  }

</sc_bundles>
